<compile_context>
chip_gen: v7x
topology: tpu7x:2x2x1
jax: 0.10.2.dev20260603
libtpu: 0.0.44.dev20260713+nightly
codegen_flags: <defaults>
</compile_context>

<pallas_src>
import dataclasses

import jax
import jax.numpy as jnp
from jax import lax
from jax.experimental import pallas as pl
from jax.experimental.pallas import tpu as pltpu
from jax.experimental.pallas import tpu_sc as plsc

N = 10000
D = 128
E = 320000
NC = 2
NS = 16
NW = NC * NS
CH = 125
NCHUNK = E // (NW * CH)
EROWS = E // CH
NP = 10240
RPT = NP // NS

_MESH = plsc.VectorSubcoreMesh(core_axis_name="c", subcore_axis_name="s")
EPT = E // NW

_CP = pltpu.CompilerParams()
if "needs_layout_passes" in pltpu.CompilerParams.__dataclass_fields__:
    _CP = dataclasses.replace(_CP, needs_layout_passes=False)


def _hist_body(dst_hbm, out_hbm, idx_v, hist):
    c = lax.axis_index("c")
    s = lax.axis_index("s")
    wid = c * NS + s

    @pl.loop(0, NP // 64)
    def _(k):
        for u in range(4):
            hist[0, pl.ds(k * 64 + u * 16, 16)] = jnp.zeros((16,), jnp.float32)

    pltpu.sync_copy(dst_hbm.at[pl.ds(wid * EPT, EPT)], idx_v)
    zeros_i = jnp.zeros((16,), jnp.int32)
    ones_f = jnp.ones((16,), jnp.float32)

    @pl.loop(0, EPT // 80)
    def _(k):
        for u in range(5):
            iv = idx_v[pl.ds(k * 80 + u * 16, 16)]
            plsc.addupdate_scatter(hist, [zeros_i, iv], ones_f)

    pltpu.sync_copy(hist, out_hbm.at[wid])


_hist = pl.kernel(
    _hist_body,
    out_type=jax.ShapeDtypeStruct((NW, 1, NP), jnp.float32),
    mesh=_MESH,
    compiler_params=_CP,
    scratch_types=[
        pltpu.VMEM((EPT,), jnp.int32),
        pltpu.VMEM((1, NP), jnp.float32),
    ],
)


def _agg_body(hs_hbm, src_hbm, dst_hbm, zero_hbm, out_hbm,
              dst_v, s0, s1, r0, r1, acc, gsem0, gsem1, isem0, isem1):
    c = lax.axis_index("c")
    s = lax.axis_index("s")
    wid = c * NS + s
    pltpu.sync_copy(zero_hbm, acc.at[pl.ds(s * RPT, RPT)])
    pltpu.sync_copy(dst_hbm.at[pl.ds(wid * NCHUNK, NCHUNK)], dst_v)
    plsc.subcore_barrier()

    pltpu.sync_copy(src_hbm.at[wid, 0], s0)
    pltpu.sync_copy(src_hbm.at[wid, 1], s1)
    pltpu.async_copy(hs_hbm.at[s0.at[0]], r0, gsem0)
    pltpu.async_copy(hs_hbm.at[s1.at[0]], r1, gsem1)

    @pl.loop(0, NCHUNK - 2, step=2)
    def _(j):
        pltpu.make_async_copy(hs_hbm.at[s0.at[0]], r0, gsem0).wait()
        pltpu.async_copy(src_hbm.at[wid, j + 2], s0, isem0)
        pltpu.sync_copy(r0, acc.at[dst_v.at[j]], add=True)
        pltpu.make_async_copy(src_hbm.at[wid, j + 2], s0, isem0).wait()
        pltpu.async_copy(hs_hbm.at[s0.at[0]], r0, gsem0)
        pltpu.make_async_copy(hs_hbm.at[s1.at[0]], r1, gsem1).wait()
        pltpu.async_copy(src_hbm.at[wid, j + 3], s1, isem1)
        pltpu.sync_copy(r1, acc.at[dst_v.at[j + 1]], add=True)
        pltpu.make_async_copy(src_hbm.at[wid, j + 3], s1, isem1).wait()
        pltpu.async_copy(hs_hbm.at[s1.at[0]], r1, gsem1)

    pltpu.make_async_copy(hs_hbm.at[s0.at[0]], r0, gsem0).wait()
    pltpu.sync_copy(r0, acc.at[dst_v.at[NCHUNK - 2]], add=True)
    pltpu.make_async_copy(hs_hbm.at[s1.at[0]], r1, gsem1).wait()
    pltpu.sync_copy(r1, acc.at[dst_v.at[NCHUNK - 1]], add=True)

    plsc.subcore_barrier()
    pltpu.sync_copy(acc.at[pl.ds(s * RPT, RPT)],
                    out_hbm.at[c, pl.ds(s * RPT, RPT)])


_agg = pl.kernel(
    _agg_body,
    out_type=jax.ShapeDtypeStruct((NC, NP, D), jnp.float32),
    mesh=_MESH,
    scratch_types=[
        pltpu.VMEM((NCHUNK, CH), jnp.int32),
        pltpu.VMEM((1, CH), jnp.int32),
        pltpu.VMEM((1, CH), jnp.int32),
        pltpu.VMEM((CH, D), jnp.float32),
        pltpu.VMEM((CH, D), jnp.float32),
        pltpu.VMEM_SHARED((NP, D), jnp.float32),
        pltpu.SemaphoreType.DMA,
        pltpu.SemaphoreType.DMA,
        pltpu.SemaphoreType.DMA,
        pltpu.SemaphoreType.DMA,
    ],
)


BR = 512
GRID = NP // BR


def _dot(a, b):
    return jax.lax.dot(a, b, precision=jax.lax.Precision.HIGHEST,
                       preferred_element_type=jnp.float32)


def _dinv_col(degp):
    deg = jnp.sum(degp, axis=(0, 1))
    dinv = lax.rsqrt(deg + 1.0)[None, :]
    eye = (lax.broadcasted_iota(jnp.int32, (BR, BR), 0)
           == lax.broadcasted_iota(jnp.int32, (BR, BR), 1))
    return _dot(eye.astype(jnp.float32) * dinv, jnp.ones((BR, 1), jnp.float32))


def _mm_scale_body(x_ref, w_ref, degp_ref, hs_ref, dinv_ref):
    dinv = _dinv_col(degp_ref[...])
    dinv_ref[...] = dinv
    hs_ref[...] = _dot(x_ref[...], w_ref[...]) * dinv


_mm_scale = pl.pallas_call(
    _mm_scale_body,
    grid=(GRID,),
    in_specs=[
        pl.BlockSpec((BR, D), lambda i: (i, 0)),
        pl.BlockSpec((D, D), lambda i: (0, 0)),
        pl.BlockSpec((NW, 1, BR), lambda i: (0, 0, i)),
    ],
    out_specs=[pl.BlockSpec((BR, D), lambda i: (i, 0)),
               pl.BlockSpec((BR, 1), lambda i: (i, 0))],
    out_shape=[jax.ShapeDtypeStruct((NP, D), jnp.float32),
               jax.ShapeDtypeStruct((NP, 1), jnp.float32)],
)


def _mid_body(accp_ref, hs_ref, dinv_ref, b_ref, w_ref, hs2_ref):
    dinv = dinv_ref[...]
    z = (accp_ref[0] + accp_ref[1] + hs_ref[...]) * dinv + b_ref[...]
    z = jnp.maximum(z, 0.0)
    hs2_ref[...] = _dot(z, w_ref[...]) * dinv


_mid = pl.pallas_call(
    _mid_body,
    grid=(GRID,),
    in_specs=[
        pl.BlockSpec((NC, BR, D), lambda i: (0, i, 0)),
        pl.BlockSpec((BR, D), lambda i: (i, 0)),
        pl.BlockSpec((BR, 1), lambda i: (i, 0)),
        pl.BlockSpec((1, D), lambda i: (0, 0)),
        pl.BlockSpec((D, D), lambda i: (0, 0)),
    ],
    out_specs=pl.BlockSpec((BR, D), lambda i: (i, 0)),
    out_shape=jax.ShapeDtypeStruct((NP, D), jnp.float32),
)


def _final_body(accp_ref, hs_ref, dinv_ref, b_ref, out_ref):
    out_ref[...] = ((accp_ref[0] + accp_ref[1] + hs_ref[...]) * dinv_ref[...]
                    + b_ref[...])


_final = pl.pallas_call(
    _final_body,
    grid=(GRID,),
    in_specs=[
        pl.BlockSpec((NC, BR, D), lambda i: (0, i, 0)),
        pl.BlockSpec((BR, D), lambda i: (i, 0)),
        pl.BlockSpec((BR, 1), lambda i: (i, 0)),
        pl.BlockSpec((1, D), lambda i: (0, 0)),
    ],
    out_specs=pl.BlockSpec((BR, D), lambda i: (i, 0)),
    out_shape=jax.ShapeDtypeStruct((N, D), jnp.float32),
)


def kernel(x, edge_index, W1, b1, W2, b2):
    xp = jnp.pad(x, ((0, NP - N), (0, 0)))
    src4 = edge_index[0].astype(jnp.int32).reshape(NW, NCHUNK, 1, CH)
    dst1 = edge_index[1].astype(jnp.int32)
    dst2 = dst1.reshape(EROWS, CH)
    zeroD = jnp.zeros((RPT, D), jnp.float32)
    b1r = b1.reshape(1, D)
    b2r = b2.reshape(1, D)

    degp = _hist(dst1)
    hs1, dinv = _mm_scale(xp, W1, degp)
    acc1 = _agg(hs1, src4, dst2, zeroD)
    hs2 = _mid(acc1, hs1, dinv, b1r, W2)
    acc2 = _agg(hs2, src4, dst2, zeroD)
    return _final(acc2, hs2, dinv, b2r)

# --- scband reference (transcript-rebuilt; emitter-appended) ---
"""Pipeline reference for scband-rolling-static-gcn-17386027614713 (READ-ONLY COPY).

The authoritative reference and input builder live on the scoring server;
editing this copy changes nothing except your own understanding.
"""

import jax, jax.numpy as jnp
import numpy as np

N_NODES = 10000
D_IN = 128
D_HID = 128
D_OUT = 128


def setup_inputs(seed: int = 0) -> dict:
    key = jax.random.key(seed)
    k1, k2, k3, k4, k5, k6 = jax.random.split(key, 6)
    x = jax.random.normal(k1, (N_NODES, D_IN), dtype=jnp.float32)
    edge_index = jax.random.randint(k2, (2, 320000), 0, N_NODES, dtype=jnp.int64)
    # glorot-style init for GCN weights
    s1 = float(np.sqrt(6.0 / (D_IN + D_HID)))
    s2 = float(np.sqrt(6.0 / (D_HID + D_OUT)))
    W1 = jax.random.uniform(k3, (D_IN, D_HID), minval=-s1, maxval=s1, dtype=jnp.float32)
    b1 = jnp.zeros((D_HID,), dtype=jnp.float32)
    W2 = jax.random.uniform(k4, (D_HID, D_OUT), minval=-s2, maxval=s2, dtype=jnp.float32)
    b2 = jnp.zeros((D_OUT,), dtype=jnp.float32)
    return {"x": x, "edge_index": edge_index, "W1": W1, "b1": b1, "W2": W2, "b2": b2}


def _gcn_conv(x, src, dst, W, b, num_nodes):
    # H' = D^{-1/2} (A + I) D^{-1/2} H W + b
    h = x @ W
    deg = jnp.zeros((num_nodes,), dtype=h.dtype).at[dst].add(1.0)
    dinv = jnp.where(deg > 0, 1.0 / jnp.sqrt(deg), 0.0)
    norm = dinv[src] * dinv[dst]
    msg = h[src] * norm[:, None]
    out = jnp.zeros((num_nodes, h.shape[1]), dtype=h.dtype).at[dst].add(msg)
    return out + b


def reference(x, edge_index, W1, b1, W2, b2):
    num_nodes = x.shape[0]
    loop = jnp.arange(num_nodes, dtype=edge_index.dtype)
    src = jnp.concatenate([edge_index[0], loop])
    dst = jnp.concatenate([edge_index[1], loop])
    h = _gcn_conv(x, src, dst, W1, b1, num_nodes)
    h = jax.nn.relu(h)
    # dropout inactive in eval mode
    out = _gcn_conv(h, src, dst, W2, b2, num_nodes)
    return out

if __name__ == "__main__":
    import jax
    _d = setup_inputs()
    print(jax.jit(kernel)(*tuple(_d.values())))

</pallas_src>

<mosaic_0001>
#map = affine_map<(d0, d1) -> (0)>
#map1 = affine_map<(d0, d1) -> (0, 0, 0)>
module attributes {stable_mosaic.version = 14 : i64} {
  func.func @_hist_body(%arg0: i32, %arg1: i32, %arg2: memref<320000xi32, #tpu.memory_space<hbm>>, %arg3: memref<32x1x10240xf32, #tpu.memory_space<hbm>>, %arg4: memref<10000xi32, #tpu.memory_space<vmem>>, %arg5: memref<1x10240xf32, #tpu.memory_space<vmem>>) attributes {dimension_semantics = [#tpu.dimension_semantics<core_parallel>, #tpu.dimension_semantics<subcore_parallel>], iteration_bounds = array<i64: 2, 16>, scalar_prefetch = 0 : i64, scratch_operands = 2 : i64, tpu.core_type = #tpu.core_type<sc_vector_subcore>, window_params = [{transform_indices = #map}, {transform_indices = #map1}]} {
    %mul3A = arith.constant 16 : i32
    %mul3A_0 = arith.muli %arg0, %mul3A : i32
    %add3A = arith.addi %mul3A_0, %arg1 : i32
    %scan3A = arith.constant 0 : i32
    %scan3A_1 = arith.constant 160 : i32
    %scan3A_2 = arith.addi %scan3A, %scan3A_1 : i32
    %scan3A_3 = arith.constant 1 : i32
    scf.for %scan3A_15 = %scan3A to %scan3A_2 step %scan3A_3  : i32 {
      %mul3A_16 = arith.constant 1 : i32
      %mul3A_17 = arith.muli %scan3A_15, %mul3A_16 : i32
      %add3A_18 = arith.constant 0 : i32
      %add3A_19 = arith.addi %add3A_18, %mul3A_17 : i32
      %broadcast_in_dim3A_20 = arith.constant 0.000000e+00 : f32
      %broadcast_in_dim3A_21 = vector.broadcast %broadcast_in_dim3A_20 : f32 to vector<16xf32>
      %mul3A_22 = arith.constant 64 : i32
      %mul3A_23 = arith.muli %add3A_19, %mul3A_22 : i32
      %add3A_24 = arith.constant 0 : i32
      %add3A_25 = arith.addi %mul3A_23, %add3A_24 : i32
      %swap3A = arith.constant 0 : i32
      %swap3A_26 = arith.index_cast %swap3A : i32 to index
      %swap3A_27 = arith.index_cast %add3A_25 : i32 to index
      %swap3A_28 = tpu.vector_load %arg5[%swap3A_26, %swap3A_27] {strides = array<i32>} : memref<1x10240xf32, #tpu.memory_space<vmem>>, vector<16xf32>,
      tpu.vector_store %arg5[%swap3A_26, %swap3A_27], %broadcast_in_dim3A_21 {strides = array<i32>} : memref<1x10240xf32, #tpu.memory_space<vmem>>, vector<16xf32>,
      %broadcast_in_dim3A_29 = arith.constant 0.000000e+00 : f32
      %broadcast_in_dim3A_30 = vector.broadcast %broadcast_in_dim3A_29 : f32 to vector<16xf32>
      %mul3A_31 = arith.constant 64 : i32
      %mul3A_32 = arith.muli %add3A_19, %mul3A_31 : i32
      %add3A_33 = arith.constant 16 : i32
      %add3A_34 = arith.addi %mul3A_32, %add3A_33 : i32
      %swap3A_35 = arith.constant 0 : i32
      %swap3A_36 = arith.index_cast %swap3A_35 : i32 to index
      %swap3A_37 = arith.index_cast %add3A_34 : i32 to index
      %swap3A_38 = tpu.vector_load %arg5[%swap3A_36, %swap3A_37] {strides = array<i32>} : memref<1x10240xf32, #tpu.memory_space<vmem>>, vector<16xf32>,
      tpu.vector_store %arg5[%swap3A_36, %swap3A_37], %broadcast_in_dim3A_30 {strides = array<i32>} : memref<1x10240xf32, #tpu.memory_space<vmem>>, vector<16xf32>,
      %broadcast_in_dim3A_39 = arith.constant 0.000000e+00 : f32
      %broadcast_in_dim3A_40 = vector.broadcast %broadcast_in_dim3A_39 : f32 to vector<16xf32>
      %mul3A_41 = arith.constant 64 : i32
      %mul3A_42 = arith.muli %add3A_19, %mul3A_41 : i32
      %add3A_43 = arith.constant 32 : i32
      %add3A_44 = arith.addi %mul3A_42, %add3A_43 : i32
      %swap3A_45 = arith.constant 0 : i32
      %swap3A_46 = arith.index_cast %swap3A_45 : i32 to index
      %swap3A_47 = arith.index_cast %add3A_44 : i32 to index
      %swap3A_48 = tpu.vector_load %arg5[%swap3A_46, %swap3A_47] {strides = array<i32>} : memref<1x10240xf32, #tpu.memory_space<vmem>>, vector<16xf32>,
      tpu.vector_store %arg5[%swap3A_46, %swap3A_47], %broadcast_in_dim3A_40 {strides = array<i32>} : memref<1x10240xf32, #tpu.memory_space<vmem>>, vector<16xf32>,
      %broadcast_in_dim3A_49 = arith.constant 0.000000e+00 : f32
      %broadcast_in_dim3A_50 = vector.broadcast %broadcast_in_dim3A_49 : f32 to vector<16xf32>
      %mul3A_51 = arith.constant 64 : i32
      %mul3A_52 = arith.muli %add3A_19, %mul3A_51 : i32
      %add3A_53 = arith.constant 48 : i32
      %add3A_54 = arith.addi %mul3A_52, %add3A_53 : i32
      %swap3A_55 = arith.constant 0 : i32
      %swap3A_56 = arith.index_cast %swap3A_55 : i32 to index
      %swap3A_57 = arith.index_cast %add3A_54 : i32 to index
      %swap3A_58 = tpu.vector_load %arg5[%swap3A_56, %swap3A_57] {strides = array<i32>} : memref<1x10240xf32, #tpu.memory_space<vmem>>, vector<16xf32>,
      tpu.vector_store %arg5[%swap3A_56, %swap3A_57], %broadcast_in_dim3A_50 {strides = array<i32>} : memref<1x10240xf32, #tpu.memory_space<vmem>>, vector<16xf32>,
    }
    %scan3A_4 = arith.constant 160 : i32
    %mul3A_5 = arith.constant 10000 : i32
    %mul3A_6 = arith.muli %add3A, %mul3A_5 : i32
    "tpu.region"() ({
      %run_scoped3A = tpu.sem_alloc : memref<!tpu.dma_semaphore, #tpu.memory_space<semaphore_mem>>
      %dma_start3A = tpu.memref_slice %arg2[%mul3A_6] : memref<320000xi32, #tpu.memory_space<hbm>> -> memref<10000xi32, #tpu.memory_space<hbm>>
      %dma_start3A_15 = tpu.memref_slice %arg2[%mul3A_6] : memref<320000xi32, #tpu.memory_space<hbm>> -> memref<10000xi32, #tpu.memory_space<hbm>>
      tpu.enqueue_dma source(%dma_start3A_15 : memref<10000xi32, #tpu.memory_space<hbm>>) target(%arg4 : memref<10000xi32, #tpu.memory_space<vmem>>) target_semaphore(%run_scoped3A : memref<!tpu.dma_semaphore, #tpu.memory_space<semaphore_mem>>)
      %dma_wait3A = tpu.memref_slice %arg2[%mul3A_6] : memref<320000xi32, #tpu.memory_space<hbm>> -> memref<10000xi32, #tpu.memory_space<hbm>>
      %dma_wait3A_16 = tpu.memref_slice %arg2[%mul3A_6] : memref<320000xi32, #tpu.memory_space<hbm>> -> memref<10000xi32, #tpu.memory_space<hbm>>
      tpu.wait_dma2 semaphore(%run_scoped3A : memref<!tpu.dma_semaphore, #tpu.memory_space<semaphore_mem>>) src(%dma_wait3A_16 : memref<10000xi32, #tpu.memory_space<hbm>>) dst(%arg4 : memref<10000xi32, #tpu.memory_space<vmem>>)
      tpu.yield
    }) : () -> ()
    %broadcast_in_dim3A = arith.constant 0 : i32
    %broadcast_in_dim3A_7 = vector.broadcast %broadcast_in_dim3A : i32 to vector<16xi32>
    %broadcast_in_dim3A_8 = arith.constant 1.000000e+00 : f32
    %broadcast_in_dim3A_9 = vector.broadcast %broadcast_in_dim3A_8 : f32 to vector<16xf32>
    %scan3A_10 = arith.constant 0 : i32
    %scan3A_11 = arith.constant 125 : i32
    %scan3A_12 = arith.addi %scan3A_10, %scan3A_11 : i32
    %scan3A_13 = arith.constant 1 : i32
    scf.for %scan3A_15 = %scan3A_10 to %scan3A_12 step %scan3A_13  : i32 {
      %mul3A_16 = arith.constant 1 : i32
      %mul3A_17 = arith.muli %scan3A_15, %mul3A_16 : i32
      %add3A_18 = arith.constant 0 : i32
      %add3A_19 = arith.addi %add3A_18, %mul3A_17 : i32
      %mul3A_20 = arith.constant 80 : i32
      %mul3A_21 = arith.muli %add3A_19, %mul3A_20 : i32
      %add3A_22 = arith.constant 0 : i32
      %add3A_23 = arith.addi %mul3A_21, %add3A_22 : i32
      %get3A = arith.index_cast %add3A_23 : i32 to index
      %get3A_24 = tpu.vector_load %arg4[%get3A] {strides = array<i32>} : memref<10000xi32, #tpu.memory_space<vmem>>, vector<16xi32>,
      tpu.vector_store_idx %arg5[%broadcast_in_dim3A_7, %get3A_24], %broadcast_in_dim3A_9 {add = true} : memref<1x10240xf32, #tpu.memory_space<vmem>>[vector<16xi32>, vector<16xi32>], vector<16xf32>,
      %mul3A_25 = arith.constant 80 : i32
      %mul3A_26 = arith.muli %add3A_19, %mul3A_25 : i32
      %add3A_27 = arith.constant 16 : i32
      %add3A_28 = arith.addi %mul3A_26, %add3A_27 : i32
      %get3A_29 = arith.index_cast %add3A_28 : i32 to index
      %get3A_30 = tpu.vector_load %arg4[%get3A_29] {strides = array<i32>} : memref<10000xi32, #tpu.memory_space<vmem>>, vector<16xi32>,
      tpu.vector_store_idx %arg5[%broadcast_in_dim3A_7, %get3A_30], %broadcast_in_dim3A_9 {add = true} : memref<1x10240xf32, #tpu.memory_space<vmem>>[vector<16xi32>, vector<16xi32>], vector<16xf32>,
      %mul3A_31 = arith.constant 80 : i32
      %mul3A_32 = arith.muli %add3A_19, %mul3A_31 : i32
      %add3A_33 = arith.constant 32 : i32
      %add3A_34 = arith.addi %mul3A_32, %add3A_33 : i32
      %get3A_35 = arith.index_cast %add3A_34 : i32 to index
      %get3A_36 = tpu.vector_load %arg4[%get3A_35] {strides = array<i32>} : memref<10000xi32, #tpu.memory_space<vmem>>, vector<16xi32>,
      tpu.vector_store_idx %arg5[%broadcast_in_dim3A_7, %get3A_36], %broadcast_in_dim3A_9 {add = true} : memref<1x10240xf32, #tpu.memory_space<vmem>>[vector<16xi32>, vector<16xi32>], vector<16xf32>,
      %mul3A_37 = arith.constant 80 : i32
      %mul3A_38 = arith.muli %add3A_19, %mul3A_37 : i32
      %add3A_39 = arith.constant 48 : i32
      %add3A_40 = arith.addi %mul3A_38, %add3A_39 : i32
      %get3A_41 = arith.index_cast %add3A_40 : i32 to index
      %get3A_42 = tpu.vector_load %arg4[%get3A_41] {strides = array<i32>} : memref<10000xi32, #tpu.memory_space<vmem>>, vector<16xi32>,
      tpu.vector_store_idx %arg5[%broadcast_in_dim3A_7, %get3A_42], %broadcast_in_dim3A_9 {add = true} : memref<1x10240xf32, #tpu.memory_space<vmem>>[vector<16xi32>, vector<16xi32>], vector<16xf32>,
      %mul3A_43 = arith.constant 80 : i32
      %mul3A_44 = arith.muli %add3A_19, %mul3A_43 : i32
      %add3A_45 = arith.constant 64 : i32
      %add3A_46 = arith.addi %mul3A_44, %add3A_45 : i32
      %get3A_47 = arith.index_cast %add3A_46 : i32 to index
      %get3A_48 = tpu.vector_load %arg4[%get3A_47] {strides = array<i32>} : memref<10000xi32, #tpu.memory_space<vmem>>, vector<16xi32>,
      tpu.vector_store_idx %arg5[%broadcast_in_dim3A_7, %get3A_48], %broadcast_in_dim3A_9 {add = true} : memref<1x10240xf32, #tpu.memory_space<vmem>>[vector<16xi32>, vector<16xi32>], vector<16xf32>,
    }
    %scan3A_14 = arith.constant 125 : i32
    "tpu.region"() ({
      %run_scoped3A = tpu.sem_alloc : memref<!tpu.dma_semaphore, #tpu.memory_space<semaphore_mem>>
      %dma_start3A = arith.constant 0 : i32
      %dma_start3A_15 = arith.constant 0 : i32
      %dma_start3A_16 = tpu.memref_slice %arg3[%add3A, %dma_start3A, %dma_start3A_15] : memref<32x1x10240xf32, #tpu.memory_space<hbm>> -> memref<1x1x10240xf32, #tpu.memory_space<hbm>>
      %dma_start3A_17 = tpu.memref_squeeze %dma_start3A_16 : memref<1x1x10240xf32, #tpu.memory_space<hbm>> -> memref<1x10240xf32, #tpu.memory_space<hbm>>
      %dma_start3A_18 = arith.constant 0 : i32
      %dma_start3A_19 = arith.constant 0 : i32
      %dma_start3A_20 = tpu.memref_slice %arg3[%add3A, %dma_start3A_18, %dma_start3A_19] : memref<32x1x10240xf32, #tpu.memory_space<hbm>> -> memref<1x1x10240xf32, #tpu.memory_space<hbm>>
      %dma_start3A_21 = tpu.memref_squeeze %dma_start3A_20 : memref<1x1x10240xf32, #tpu.memory_space<hbm>> -> memref<1x10240xf32, #tpu.memory_space<hbm>>
      tpu.enqueue_dma source(%arg5 : memref<1x10240xf32, #tpu.memory_space<vmem>>) target(%dma_start3A_21 : memref<1x10240xf32, #tpu.memory_space<hbm>>) target_semaphore(%run_scoped3A : memref<!tpu.dma_semaphore, #tpu.memory_space<semaphore_mem>>)
      %dma_wait3A = arith.constant 0 : i32
      %dma_wait3A_22 = arith.constant 0 : i32
      %dma_wait3A_23 = tpu.memref_slice %arg3[%add3A, %dma_wait3A, %dma_wait3A_22] : memref<32x1x10240xf32, #tpu.memory_space<hbm>> -> memref<1x1x10240xf32, #tpu.memory_space<hbm>>
      %dma_wait3A_24 = tpu.memref_squeeze %dma_wait3A_23 : memref<1x1x10240xf32, #tpu.memory_space<hbm>> -> memref<1x10240xf32, #tpu.memory_space<hbm>>
      %dma_wait3A_25 = arith.constant 0 : i32
      %dma_wait3A_26 = arith.constant 0 : i32
      %dma_wait3A_27 = tpu.memref_slice %arg3[%add3A, %dma_wait3A_25, %dma_wait3A_26] : memref<32x1x10240xf32, #tpu.memory_space<hbm>> -> memref<1x1x10240xf32, #tpu.memory_space<hbm>>
      %dma_wait3A_28 = tpu.memref_squeeze %dma_wait3A_27 : memref<1x1x10240xf32, #tpu.memory_space<hbm>> -> memref<1x10240xf32, #tpu.memory_space<hbm>>
      tpu.wait_dma2 semaphore(%run_scoped3A : memref<!tpu.dma_semaphore, #tpu.memory_space<semaphore_mem>>) src(%arg5 : memref<1x10240xf32, #tpu.memory_space<vmem>>) dst(%dma_wait3A_28 : memref<1x10240xf32, #tpu.memory_space<hbm>>)
      tpu.yield
    }) : () -> ()
    return
  }
}

#map = affine_map<(d0, d1) -> (0, 0)>
#map1 = affine_map<(d0, d1) -> (0, 0, 0, 0)>
#map2 = affine_map<(d0, d1) -> (0, 0, 0)>
module attributes {stable_mosaic.version = 14 : i64} {
  func.func @_agg_body(%arg0: i32, %arg1: i32, %arg2: memref<10240x128xf32, #tpu.memory_space<hbm>>, %arg3: memref<32x80x1x125xi32, #tpu.memory_space<hbm>>, %arg4: memref<2560x125xi32, #tpu.memory_space<hbm>>, %arg5: memref<640x128xf32, #tpu.memory_space<hbm>>, %arg6: memref<2x10240x128xf32, #tpu.memory_space<hbm>>, %arg7: memref<80x125xi32, #tpu.memory_space<vmem>>, %arg8: memref<1x125xi32, #tpu.memory_space<vmem>>, %arg9: memref<1x125xi32, #tpu.memory_space<vmem>>, %arg10: memref<125x128xf32, #tpu.memory_space<vmem>>, %arg11: memref<125x128xf32, #tpu.memory_space<vmem>>, %arg12: memref<10240x128xf32, #tpu.memory_space<vmem_shared>>, %arg13: memref<!tpu.dma_semaphore, #tpu.memory_space<semaphore_mem>>, %arg14: memref<!tpu.dma_semaphore, #tpu.memory_space<semaphore_mem>>, %arg15: memref<!tpu.dma_semaphore, #tpu.memory_space<semaphore_mem>>, %arg16: memref<!tpu.dma_semaphore, #tpu.memory_space<semaphore_mem>>) attributes {dimension_semantics = [#tpu.dimension_semantics<core_parallel>, #tpu.dimension_semantics<subcore_parallel>], iteration_bounds = array<i64: 2, 16>, scalar_prefetch = 0 : i64, scratch_operands = 10 : i64, tpu.core_type = #tpu.core_type<sc_vector_subcore>, window_params = [{transform_indices = #map}, {transform_indices = #map1}, {transform_indices = #map}, {transform_indices = #map}, {transform_indices = #map2}]} {
    %mul3A = arith.constant 16 : i32
    %mul3A_0 = arith.muli %arg0, %mul3A : i32
    %add3A = arith.addi %mul3A_0, %arg1 : i32
    %mul3A_1 = arith.constant 640 : i32
    %mul3A_2 = arith.muli %arg1, %mul3A_1 : i32
    "tpu.region"() ({
      %run_scoped3A_43 = tpu.sem_alloc : memref<!tpu.dma_semaphore, #tpu.memory_space<semaphore_mem>>
      %dma_start3A_44 = arith.constant 0 : i32
      %dma_start3A_45 = tpu.memref_slice %arg12[%mul3A_2, %dma_start3A_44] : memref<10240x128xf32, #tpu.memory_space<vmem_shared>> -> memref<640x128xf32, #tpu.memory_space<vmem_shared>>
      tpu.enqueue_dma source(%arg5 : memref<640x128xf32, #tpu.memory_space<hbm>>) target(%dma_start3A_45 : memref<640x128xf32, #tpu.memory_space<vmem_shared>>) target_semaphore(%run_scoped3A_43 : memref<!tpu.dma_semaphore, #tpu.memory_space<semaphore_mem>>)
      %dma_wait3A_46 = arith.constant 0 : i32
      %dma_wait3A_47 = tpu.memref_slice %arg12[%mul3A_2, %dma_wait3A_46] : memref<10240x128xf32, #tpu.memory_space<vmem_shared>> -> memref<640x128xf32, #tpu.memory_space<vmem_shared>>
      tpu.wait_dma2 semaphore(%run_scoped3A_43 : memref<!tpu.dma_semaphore, #tpu.memory_space<semaphore_mem>>) src(%arg5 : memref<640x128xf32, #tpu.memory_space<hbm>>) dst(%dma_wait3A_47 : memref<640x128xf32, #tpu.memory_space<vmem_shared>>)
      tpu.yield
    }) : () -> ()
    %mul3A_3 = arith.constant 80 : i32
    %mul3A_4 = arith.muli %add3A, %mul3A_3 : i32
    "tpu.region"() ({
      %run_scoped3A_43 = tpu.sem_alloc : memref<!tpu.dma_semaphore, #tpu.memory_space<semaphore_mem>>
      %dma_start3A_44 = arith.constant 0 : i32
      %dma_start3A_45 = tpu.memref_slice %arg4[%mul3A_4, %dma_start3A_44] : memref<2560x125xi32, #tpu.memory_space<hbm>> -> memref<80x125xi32, #tpu.memory_space<hbm>>
      %dma_start3A_46 = arith.constant 0 : i32
      %dma_start3A_47 = tpu.memref_slice %arg4[%mul3A_4, %dma_start3A_46] : memref<2560x125xi32, #tpu.memory_space<hbm>> -> memref<80x125xi32, #tpu.memory_space<hbm>>
      tpu.enqueue_dma source(%dma_start3A_47 : memref<80x125xi32, #tpu.memory_space<hbm>>) target(%arg7 : memref<80x125xi32, #tpu.memory_space<vmem>>) target_semaphore(%run_scoped3A_43 : memref<!tpu.dma_semaphore, #tpu.memory_space<semaphore_mem>>)
      %dma_wait3A_48 = arith.constant 0 : i32
      %dma_wait3A_49 = tpu.memref_slice %arg4[%mul3A_4, %dma_wait3A_48] : memref<2560x125xi32, #tpu.memory_space<hbm>> -> memref<80x125xi32, #tpu.memory_space<hbm>>
      %dma_wait3A_50 = arith.constant 0 : i32
      %dma_wait3A_51 = tpu.memref_slice %arg4[%mul3A_4, %dma_wait3A_50] : memref<2560x125xi32, #tpu.memory_space<hbm>> -> memref<80x125xi32, #tpu.memory_space<hbm>>
      tpu.wait_dma2 semaphore(%run_scoped3A_43 : memref<!tpu.dma_semaphore, #tpu.memory_space<semaphore_mem>>) src(%dma_wait3A_51 : memref<80x125xi32, #tpu.memory_space<hbm>>) dst(%arg7 : memref<80x125xi32, #tpu.memory_space<vmem>>)
      tpu.yield
    }) : () -> ()
    %barrier3A = arith.constant 0 : index
    tpu.barrier barrier_id(%barrier3A)
    %run_scoped3A = arith.constant 0 : i32
    "tpu.region"() ({
      %run_scoped3A_43 = tpu.sem_alloc : memref<!tpu.dma_semaphore, #tpu.memory_space<semaphore_mem>>
      %dma_start3A_44 = arith.constant 0 : i32
      %dma_start3A_45 = arith.constant 0 : i32
      %dma_start3A_46 = tpu.memref_slice %arg3[%add3A, %run_scoped3A, %dma_start3A_44, %dma_start3A_45] : memref<32x80x1x125xi32, #tpu.memory_space<hbm>> -> memref<1x1x1x125xi32, #tpu.memory_space<hbm>>
      %dma_start3A_47 = tpu.memref_squeeze %dma_start3A_46 : memref<1x1x1x125xi32, #tpu.memory_space<hbm>> -> memref<1x125xi32, #tpu.memory_space<hbm>>
      %dma_start3A_48 = arith.constant 0 : i32
      %dma_start3A_49 = arith.constant 0 : i32
      %dma_start3A_50 = tpu.memref_slice %arg3[%add3A, %run_scoped3A, %dma_start3A_48, %dma_start3A_49] : memref<32x80x1x125xi32, #tpu.memory_space<hbm>> -> memref<1x1x1x125xi32, #tpu.memory_space<hbm>>
      %dma_start3A_51 = tpu.memref_squeeze %dma_start3A_50 : memref<1x1x1x125xi32, #tpu.memory_space<hbm>> -> memref<1x125xi32, #tpu.memory_space<hbm>>
      tpu.enqueue_dma source(%dma_start3A_51 : memref<1x125xi32, #tpu.memory_space<hbm>>) target(%arg8 : memref<1x125xi32, #tpu.memory_space<vmem>>) target_semaphore(%run_scoped3A_43 : memref<!tpu.dma_semaphore, #tpu.memory_space<semaphore_mem>>)
      %dma_wait3A_52 = arith.constant 0 : i32
      %dma_wait3A_53 = arith.constant 0 : i32
      %dma_wait3A_54 = tpu.memref_slice %arg3[%add3A, %run_scoped3A, %dma_wait3A_52, %dma_wait3A_53] : memref<32x80x1x125xi32, #tpu.memory_space<hbm>> -> memref<1x1x1x125xi32, #tpu.memory_space<hbm>>
      %dma_wait3A_55 = tpu.memref_squeeze %dma_wait3A_54 : memref<1x1x1x125xi32, #tpu.memory_space<hbm>> -> memref<1x125xi32, #tpu.memory_space<hbm>>
      %dma_wait3A_56 = arith.constant 0 : i32
      %dma_wait3A_57 = arith.constant 0 : i32
      %dma_wait3A_58 = tpu.memref_slice %arg3[%add3A, %run_scoped3A, %dma_wait3A_56, %dma_wait3A_57] : memref<32x80x1x125xi32, #tpu.memory_space<hbm>> -> memref<1x1x1x125xi32, #tpu.memory_space<hbm>>
      %dma_wait3A_59 = tpu.memref_squeeze %dma_wait3A_58 : memref<1x1x1x125xi32, #tpu.memory_space<hbm>> -> memref<1x125xi32, #tpu.memory_space<hbm>>
      tpu.wait_dma2 semaphore(%run_scoped3A_43 : memref<!tpu.dma_semaphore, #tpu.memory_space<semaphore_mem>>) src(%dma_wait3A_59 : memref<1x125xi32, #tpu.memory_space<hbm>>) dst(%arg8 : memref<1x125xi32, #tpu.memory_space<vmem>>)
      tpu.yield
    }) : () -> ()
    %run_scoped3A_5 = arith.constant 1 : i32
    "tpu.region"() ({
      %run_scoped3A_43 = tpu.sem_alloc : memref<!tpu.dma_semaphore, #tpu.memory_space<semaphore_mem>>
      %dma_start3A_44 = arith.constant 0 : i32
      %dma_start3A_45 = arith.constant 0 : i32
      %dma_start3A_46 = tpu.memref_slice %arg3[%add3A, %run_scoped3A_5, %dma_start3A_44, %dma_start3A_45] : memref<32x80x1x125xi32, #tpu.memory_space<hbm>> -> memref<1x1x1x125xi32, #tpu.memory_space<hbm>>
      %dma_start3A_47 = tpu.memref_squeeze %dma_start3A_46 : memref<1x1x1x125xi32, #tpu.memory_space<hbm>> -> memref<1x125xi32, #tpu.memory_space<hbm>>
      %dma_start3A_48 = arith.constant 0 : i32
      %dma_start3A_49 = arith.constant 0 : i32
      %dma_start3A_50 = tpu.memref_slice %arg3[%add3A, %run_scoped3A_5, %dma_start3A_48, %dma_start3A_49] : memref<32x80x1x125xi32, #tpu.memory_space<hbm>> -> memref<1x1x1x125xi32, #tpu.memory_space<hbm>>
      %dma_start3A_51 = tpu.memref_squeeze %dma_start3A_50 : memref<1x1x1x125xi32, #tpu.memory_space<hbm>> -> memref<1x125xi32, #tpu.memory_space<hbm>>
      tpu.enqueue_dma source(%dma_start3A_51 : memref<1x125xi32, #tpu.memory_space<hbm>>) target(%arg9 : memref<1x125xi32, #tpu.memory_space<vmem>>) target_semaphore(%run_scoped3A_43 : memref<!tpu.dma_semaphore, #tpu.memory_space<semaphore_mem>>)
      %dma_wait3A_52 = arith.constant 0 : i32
      %dma_wait3A_53 = arith.constant 0 : i32
      %dma_wait3A_54 = tpu.memref_slice %arg3[%add3A, %run_scoped3A_5, %dma_wait3A_52, %dma_wait3A_53] : memref<32x80x1x125xi32, #tpu.memory_space<hbm>> -> memref<1x1x1x125xi32, #tpu.memory_space<hbm>>
      %dma_wait3A_55 = tpu.memref_squeeze %dma_wait3A_54 : memref<1x1x1x125xi32, #tpu.memory_space<hbm>> -> memref<1x125xi32, #tpu.memory_space<hbm>>
      %dma_wait3A_56 = arith.constant 0 : i32
      %dma_wait3A_57 = arith.constant 0 : i32
      %dma_wait3A_58 = tpu.memref_slice %arg3[%add3A, %run_scoped3A_5, %dma_wait3A_56, %dma_wait3A_57] : memref<32x80x1x125xi32, #tpu.memory_space<hbm>> -> memref<1x1x1x125xi32, #tpu.memory_space<hbm>>
      %dma_wait3A_59 = tpu.memref_squeeze %dma_wait3A_58 : memref<1x1x1x125xi32, #tpu.memory_space<hbm>> -> memref<1x125xi32, #tpu.memory_space<hbm>>
      tpu.wait_dma2 semaphore(%run_scoped3A_43 : memref<!tpu.dma_semaphore, #tpu.memory_space<semaphore_mem>>) src(%dma_wait3A_59 : memref<1x125xi32, #tpu.memory_space<hbm>>) dst(%arg9 : memref<1x125xi32, #tpu.memory_space<vmem>>)
      tpu.yield
    }) : () -> ()
    %dma_start3A = arith.constant 0 : i32
    %dma_start3A_6 = arith.constant 0 : i32
    %dma_start3A_7 = tpu.memref_slice %arg8[%dma_start3A, %dma_start3A_6] : memref<1x125xi32, #tpu.memory_space<vmem>> -> memref<1x125xi32, #tpu.memory_space<vmem>>
    %dma_start3A_8 = tpu.memref_squeeze %dma_start3A_7 : memref<1x125xi32, #tpu.memory_space<vmem>> -> memref<125xi32, #tpu.memory_space<vmem>>
    %dma_start3A_9 = arith.constant 0 : i32
    %dma_start3A_10 = arith.constant 0 : i32
    %dma_start3A_11 = tpu.memref_slice %arg2[%dma_start3A_9, %dma_start3A_10] : memref<10240x128xf32, #tpu.memory_space<hbm>> -> memref<10240x128xf32, #tpu.memory_space<hbm>>
    tpu.enqueue_indirect_dma source(%dma_start3A_11 : memref<10240x128xf32, #tpu.memory_space<hbm>>) target(%arg10 : memref<125x128xf32, #tpu.memory_space<vmem>>) offsets(%dma_start3A_8 : memref<125xi32, #tpu.memory_space<vmem>>) semaphore(%arg13 : memref<!tpu.dma_semaphore, #tpu.memory_space<semaphore_mem>>)
    %dma_start3A_12 = arith.constant 0 : i32
    %dma_start3A_13 = arith.constant 0 : i32
    %dma_start3A_14 = tpu.memref_slice %arg9[%dma_start3A_12, %dma_start3A_13] : memref<1x125xi32, #tpu.memory_space<vmem>> -> memref<1x125xi32, #tpu.memory_space<vmem>>
    %dma_start3A_15 = tpu.memref_squeeze %dma_start3A_14 : memref<1x125xi32, #tpu.memory_space<vmem>> -> memref<125xi32, #tpu.memory_space<vmem>>
    %dma_start3A_16 = arith.constant 0 : i32
    %dma_start3A_17 = arith.constant 0 : i32
    %dma_start3A_18 = tpu.memref_slice %arg2[%dma_start3A_16, %dma_start3A_17] : memref<10240x128xf32, #tpu.memory_space<hbm>> -> memref<10240x128xf32, #tpu.memory_space<hbm>>
    tpu.enqueue_indirect_dma source(%dma_start3A_18 : memref<10240x128xf32, #tpu.memory_space<hbm>>) target(%arg11 : memref<125x128xf32, #tpu.memory_space<vmem>>) offsets(%dma_start3A_15 : memref<125xi32, #tpu.memory_space<vmem>>) semaphore(%arg14 : memref<!tpu.dma_semaphore, #tpu.memory_space<semaphore_mem>>)
    %scan3A = arith.constant 0 : i32
    %scan3A_19 = arith.constant 39 : i32
    %scan3A_20 = arith.addi %scan3A, %scan3A_19 : i32
    %scan3A_21 = arith.constant 1 : i32
    scf.for %scan3A_43 = %scan3A to %scan3A_20 step %scan3A_21  : i32 {
      %mul3A_44 = arith.constant 2 : i32
      %mul3A_45 = arith.muli %scan3A_43, %mul3A_44 : i32
      %add3A_46 = arith.constant 0 : i32
      %add3A_47 = arith.addi %add3A_46, %mul3A_45 : i32
      %dma_wait3A_48 = arith.constant 0 : i32
      %dma_wait3A_49 = arith.constant 0 : i32
      %dma_wait3A_50 = tpu.memref_slice %arg8[%dma_wait3A_48, %dma_wait3A_49] : memref<1x125xi32, #tpu.memory_space<vmem>> -> memref<1x125xi32, #tpu.memory_space<vmem>>
      %dma_wait3A_51 = tpu.memref_squeeze %dma_wait3A_50 : memref<1x125xi32, #tpu.memory_space<vmem>> -> memref<125xi32, #tpu.memory_space<vmem>>
      %dma_wait3A_52 = arith.constant 0 : i32
      %dma_wait3A_53 = arith.constant 0 : i32
      %dma_wait3A_54 = tpu.memref_slice %arg2[%dma_wait3A_52, %dma_wait3A_53] : memref<10240x128xf32, #tpu.memory_space<hbm>> -> memref<10240x128xf32, #tpu.memory_space<hbm>>
      tpu.wait_indirect_dma semaphore(%arg13 : memref<!tpu.dma_semaphore, #tpu.memory_space<semaphore_mem>>) src(%dma_wait3A_54 : memref<10240x128xf32, #tpu.memory_space<hbm>>) dst(%arg10 : memref<125x128xf32, #tpu.memory_space<vmem>>)
      %add3A_55 = arith.constant 2 : i32
      %add3A_56 = arith.addi %add3A_47, %add3A_55 : i32
      %dma_start3A_57 = arith.constant 0 : i32
      %dma_start3A_58 = arith.constant 0 : i32
      %dma_start3A_59 = tpu.memref_slice %arg3[%add3A, %add3A_56, %dma_start3A_57, %dma_start3A_58] : memref<32x80x1x125xi32, #tpu.memory_space<hbm>> -> memref<1x1x1x125xi32, #tpu.memory_space<hbm>>
      %dma_start3A_60 = tpu.memref_squeeze %dma_start3A_59 : memref<1x1x1x125xi32, #tpu.memory_space<hbm>> -> memref<1x125xi32, #tpu.memory_space<hbm>>
      %dma_start3A_61 = arith.constant 0 : i32
      %dma_start3A_62 = arith.constant 0 : i32
      %dma_start3A_63 = tpu.memref_slice %arg3[%add3A, %add3A_56, %dma_start3A_61, %dma_start3A_62] : memref<32x80x1x125xi32, #tpu.memory_space<hbm>> -> memref<1x1x1x125xi32, #tpu.memory_space<hbm>>
      %dma_start3A_64 = tpu.memref_squeeze %dma_start3A_63 : memref<1x1x1x125xi32, #tpu.memory_space<hbm>> -> memref<1x125xi32, #tpu.memory_space<hbm>>
      tpu.enqueue_dma source(%dma_start3A_64 : memref<1x125xi32, #tpu.memory_space<hbm>>) target(%arg8 : memref<1x125xi32, #tpu.memory_space<vmem>>) target_semaphore(%arg15 : memref<!tpu.dma_semaphore, #tpu.memory_space<semaphore_mem>>)
      "tpu.region"() ({
        %run_scoped3A_118 = tpu.sem_alloc : memref<!tpu.dma_semaphore, #tpu.memory_space<semaphore_mem>>
        %dma_start3A_119 = arith.constant 0 : i32
        %dma_start3A_120 = tpu.memref_slice %arg7[%add3A_47, %dma_start3A_119] : memref<80x125xi32, #tpu.memory_space<vmem>> -> memref<1x125xi32, #tpu.memory_space<vmem>>
        %dma_start3A_121 = tpu.memref_squeeze %dma_start3A_120 : memref<1x125xi32, #tpu.memory_space<vmem>> -> memref<125xi32, #tpu.memory_space<vmem>>
        %dma_start3A_122 = arith.constant 0 : i32
        %dma_start3A_123 = arith.constant 0 : i32
        %dma_start3A_124 = tpu.memref_slice %arg12[%dma_start3A_122, %dma_start3A_123] : memref<10240x128xf32, #tpu.memory_space<vmem_shared>> -> memref<10240x128xf32, #tpu.memory_space<vmem_shared>>
        tpu.enqueue_indirect_dma source(%arg10 : memref<125x128xf32, #tpu.memory_space<vmem>>) target(%dma_start3A_124 : memref<10240x128xf32, #tpu.memory_space<vmem_shared>>) offsets(%dma_start3A_121 : memref<125xi32, #tpu.memory_space<vmem>>) semaphore(%run_scoped3A_118 : memref<!tpu.dma_semaphore, #tpu.memory_space<semaphore_mem>>) {add = true}
        %dma_wait3A_125 = arith.constant 0 : i32
        %dma_wait3A_126 = tpu.memref_slice %arg7[%add3A_47, %dma_wait3A_125] : memref<80x125xi32, #tpu.memory_space<vmem>> -> memref<1x125xi32, #tpu.memory_space<vmem>>
        %dma_wait3A_127 = tpu.memref_squeeze %dma_wait3A_126 : memref<1x125xi32, #tpu.memory_space<vmem>> -> memref<125xi32, #tpu.memory_space<vmem>>
        %dma_wait3A_128 = arith.constant 0 : i32
        %dma_wait3A_129 = arith.constant 0 : i32
        %dma_wait3A_130 = tpu.memref_slice %arg12[%dma_wait3A_128, %dma_wait3A_129] : memref<10240x128xf32, #tpu.memory_space<vmem_shared>> -> memref<10240x128xf32, #tpu.memory_space<vmem_shared>>
        tpu.wait_indirect_dma semaphore(%run_scoped3A_118 : memref<!tpu.dma_semaphore, #tpu.memory_space<semaphore_mem>>) src(%arg10 : memref<125x128xf32, #tpu.memory_space<vmem>>) dst(%dma_wait3A_130 : memref<10240x128xf32, #tpu.memory_space<vmem_shared>>)
        tpu.yield
      }) : () -> ()
      %add3A_65 = arith.constant 2 : i32
      %add3A_66 = arith.addi %add3A_47, %add3A_65 : i32
      %dma_wait3A_67 = arith.constant 0 : i32
      %dma_wait3A_68 = arith.constant 0 : i32
      %dma_wait3A_69 = tpu.memref_slice %arg3[%add3A, %add3A_66, %dma_wait3A_67, %dma_wait3A_68] : memref<32x80x1x125xi32, #tpu.memory_space<hbm>> -> memref<1x1x1x125xi32, #tpu.memory_space<hbm>>
      %dma_wait3A_70 = tpu.memref_squeeze %dma_wait3A_69 : memref<1x1x1x125xi32, #tpu.memory_space<hbm>> -> memref<1x125xi32, #tpu.memory_space<hbm>>
      %dma_wait3A_71 = arith.constant 0 : i32
      %dma_wait3A_72 = arith.constant 0 : i32
      %dma_wait3A_73 = tpu.memref_slice %arg3[%add3A, %add3A_66, %dma_wait3A_71, %dma_wait3A_72] : memref<32x80x1x125xi32, #tpu.memory_space<hbm>> -> memref<1x1x1x125xi32, #tpu.memory_space<hbm>>
      %dma_wait3A_74 = tpu.memref_squeeze %dma_wait3A_73 : memref<1x1x1x125xi32, #tpu.memory_space<hbm>> -> memref<1x125xi32, #tpu.memory_space<hbm>>
      tpu.wait_dma2 semaphore(%arg15 : memref<!tpu.dma_semaphore, #tpu.memory_space<semaphore_mem>>) src(%dma_wait3A_74 : memref<1x125xi32, #tpu.memory_space<hbm>>) dst(%arg8 : memref<1x125xi32, #tpu.memory_space<vmem>>)
      %dma_start3A_75 = arith.constant 0 : i32
      %dma_start3A_76 = arith.constant 0 : i32
      %dma_start3A_77 = tpu.memref_slice %arg8[%dma_start3A_75, %dma_start3A_76] : memref<1x125xi32, #tpu.memory_space<vmem>> -> memref<1x125xi32, #tpu.memory_space<vmem>>
      %dma_start3A_78 = tpu.memref_squeeze %dma_start3A_77 : memref<1x125xi32, #tpu.memory_space<vmem>> -> memref<125xi32, #tpu.memory_space<vmem>>
      %dma_start3A_79 = arith.constant 0 : i32
      %dma_start3A_80 = arith.constant 0 : i32
      %dma_start3A_81 = tpu.memref_slice %arg2[%dma_start3A_79, %dma_start3A_80] : memref<10240x128xf32, #tpu.memory_space<hbm>> -> memref<10240x128xf32, #tpu.memory_space<hbm>>
      tpu.enqueue_indirect_dma source(%dma_start3A_81 : memref<10240x128xf32, #tpu.memory_space<hbm>>) target(%arg10 : memref<125x128xf32, #tpu.memory_space<vmem>>) offsets(%dma_start3A_78 : memref<125xi32, #tpu.memory_space<vmem>>) semaphore(%arg13 : memref<!tpu.dma_semaphore, #tpu.memory_space<semaphore_mem>>)
      %dma_wait3A_82 = arith.constant 0 : i32
      %dma_wait3A_83 = arith.constant 0 : i32
      %dma_wait3A_84 = tpu.memref_slice %arg9[%dma_wait3A_82, %dma_wait3A_83] : memref<1x125xi32, #tpu.memory_space<vmem>> -> memref<1x125xi32, #tpu.memory_space<vmem>>
      %dma_wait3A_85 = tpu.memref_squeeze %dma_wait3A_84 : memref<1x125xi32, #tpu.memory_space<vmem>> -> memref<125xi32, #tpu.memory_space<vmem>>
      %dma_wait3A_86 = arith.constant 0 : i32
      %dma_wait3A_87 = arith.constant 0 : i32
      %dma_wait3A_88 = tpu.memref_slice %arg2[%dma_wait3A_86, %dma_wait3A_87] : memref<10240x128xf32, #tpu.memory_space<hbm>> -> memref<10240x128xf32, #tpu.memory_space<hbm>>
      tpu.wait_indirect_dma semaphore(%arg14 : memref<!tpu.dma_semaphore, #tpu.memory_space<semaphore_mem>>) src(%dma_wait3A_88 : memref<10240x128xf32, #tpu.memory_space<hbm>>) dst(%arg11 : memref<125x128xf32, #tpu.memory_space<vmem>>)
      %add3A_89 = arith.constant 3 : i32
      %add3A_90 = arith.addi %add3A_47, %add3A_89 : i32
      %dma_start3A_91 = arith.constant 0 : i32
      %dma_start3A_92 = arith.constant 0 : i32
      %dma_start3A_93 = tpu.memref_slice %arg3[%add3A, %add3A_90, %dma_start3A_91, %dma_start3A_92] : memref<32x80x1x125xi32, #tpu.memory_space<hbm>> -> memref<1x1x1x125xi32, #tpu.memory_space<hbm>>
      %dma_start3A_94 = tpu.memref_squeeze %dma_start3A_93 : memref<1x1x1x125xi32, #tpu.memory_space<hbm>> -> memref<1x125xi32, #tpu.memory_space<hbm>>
      %dma_start3A_95 = arith.constant 0 : i32
      %dma_start3A_96 = arith.constant 0 : i32
      %dma_start3A_97 = tpu.memref_slice %arg3[%add3A, %add3A_90, %dma_start3A_95, %dma_start3A_96] : memref<32x80x1x125xi32, #tpu.memory_space<hbm>> -> memref<1x1x1x125xi32, #tpu.memory_space<hbm>>
      %dma_start3A_98 = tpu.memref_squeeze %dma_start3A_97 : memref<1x1x1x125xi32, #tpu.memory_space<hbm>> -> memref<1x125xi32, #tpu.memory_space<hbm>>
      tpu.enqueue_dma source(%dma_start3A_98 : memref<1x125xi32, #tpu.memory_space<hbm>>) target(%arg9 : memref<1x125xi32, #tpu.memory_space<vmem>>) target_semaphore(%arg16 : memref<!tpu.dma_semaphore, #tpu.memory_space<semaphore_mem>>)
      %add3A_99 = arith.constant 1 : i32
      %add3A_100 = arith.addi %add3A_47, %add3A_99 : i32
      "tpu.region"() ({
        %run_scoped3A_118 = tpu.sem_alloc : memref<!tpu.dma_semaphore, #tpu.memory_space<semaphore_mem>>
        %dma_start3A_119 = arith.constant 0 : i32
        %dma_start3A_120 = tpu.memref_slice %arg7[%add3A_100, %dma_start3A_119] : memref<80x125xi32, #tpu.memory_space<vmem>> -> memref<1x125xi32, #tpu.memory_space<vmem>>
        %dma_start3A_121 = tpu.memref_squeeze %dma_start3A_120 : memref<1x125xi32, #tpu.memory_space<vmem>> -> memref<125xi32, #tpu.memory_space<vmem>>
        %dma_start3A_122 = arith.constant 0 : i32
        %dma_start3A_123 = arith.constant 0 : i32
        %dma_start3A_124 = tpu.memref_slice %arg12[%dma_start3A_122, %dma_start3A_123] : memref<10240x128xf32, #tpu.memory_space<vmem_shared>> -> memref<10240x128xf32, #tpu.memory_space<vmem_shared>>
        tpu.enqueue_indirect_dma source(%arg11 : memref<125x128xf32, #tpu.memory_space<vmem>>) target(%dma_start3A_124 : memref<10240x128xf32, #tpu.memory_space<vmem_shared>>) offsets(%dma_start3A_121 : memref<125xi32, #tpu.memory_space<vmem>>) semaphore(%run_scoped3A_118 : memref<!tpu.dma_semaphore, #tpu.memory_space<semaphore_mem>>) {add = true}
        %dma_wait3A_125 = arith.constant 0 : i32
        %dma_wait3A_126 = tpu.memref_slice %arg7[%add3A_100, %dma_wait3A_125] : memref<80x125xi32, #tpu.memory_space<vmem>> -> memref<1x125xi32, #tpu.memory_space<vmem>>
        %dma_wait3A_127 = tpu.memref_squeeze %dma_wait3A_126 : memref<1x125xi32, #tpu.memory_space<vmem>> -> memref<125xi32, #tpu.memory_space<vmem>>
        %dma_wait3A_128 = arith.constant 0 : i32
        %dma_wait3A_129 = arith.constant 0 : i32
        %dma_wait3A_130 = tpu.memref_slice %arg12[%dma_wait3A_128, %dma_wait3A_129] : memref<10240x128xf32, #tpu.memory_space<vmem_shared>> -> memref<10240x128xf32, #tpu.memory_space<vmem_shared>>
        tpu.wait_indirect_dma semaphore(%run_scoped3A_118 : memref<!tpu.dma_semaphore, #tpu.memory_space<semaphore_mem>>) src(%arg11 : memref<125x128xf32, #tpu.memory_space<vmem>>) dst(%dma_wait3A_130 : memref<10240x128xf32, #tpu.memory_space<vmem_shared>>)
        tpu.yield
      }) : () -> ()
      %add3A_101 = arith.constant 3 : i32
      %add3A_102 = arith.addi %add3A_47, %add3A_101 : i32
      %dma_wait3A_103 = arith.constant 0 : i32
      %dma_wait3A_104 = arith.constant 0 : i32
      %dma_wait3A_105 = tpu.memref_slice %arg3[%add3A, %add3A_102, %dma_wait3A_103, %dma_wait3A_104] : memref<32x80x1x125xi32, #tpu.memory_space<hbm>> -> memref<1x1x1x125xi32, #tpu.memory_space<hbm>>
      %dma_wait3A_106 = tpu.memref_squeeze %dma_wait3A_105 : memref<1x1x1x125xi32, #tpu.memory_space<hbm>> -> memref<1x125xi32, #tpu.memory_space<hbm>>
      %dma_wait3A_107 = arith.constant 0 : i32
      %dma_wait3A_108 = arith.constant 0 : i32
      %dma_wait3A_109 = tpu.memref_slice %arg3[%add3A, %add3A_102, %dma_wait3A_107, %dma_wait3A_108] : memref<32x80x1x125xi32, #tpu.memory_space<hbm>> -> memref<1x1x1x125xi32, #tpu.memory_space<hbm>>
      %dma_wait3A_110 = tpu.memref_squeeze %dma_wait3A_109 : memref<1x1x1x125xi32, #tpu.memory_space<hbm>> -> memref<1x125xi32, #tpu.memory_space<hbm>>
      tpu.wait_dma2 semaphore(%arg16 : memref<!tpu.dma_semaphore, #tpu.memory_space<semaphore_mem>>) src(%dma_wait3A_110 : memref<1x125xi32, #tpu.memory_space<hbm>>) dst(%arg9 : memref<1x125xi32, #tpu.memory_space<vmem>>)
      %dma_start3A_111 = arith.constant 0 : i32
      %dma_start3A_112 = arith.constant 0 : i32
      %dma_start3A_113 = tpu.memref_slice %arg9[%dma_start3A_111, %dma_start3A_112] : memref<1x125xi32, #tpu.memory_space<vmem>> -> memref<1x125xi32, #tpu.memory_space<vmem>>
      %dma_start3A_114 = tpu.memref_squeeze %dma_start3A_113 : memref<1x125xi32, #tpu.memory_space<vmem>> -> memref<125xi32, #tpu.memory_space<vmem>>
      %dma_start3A_115 = arith.constant 0 : i32
      %dma_start3A_116 = arith.constant 0 : i32
      %dma_start3A_117 = tpu.memref_slice %arg2[%dma_start3A_115, %dma_start3A_116] : memref<10240x128xf32, #tpu.memory_space<hbm>> -> memref<10240x128xf32, #tpu.memory_space<hbm>>
      tpu.enqueue_indirect_dma source(%dma_start3A_117 : memref<10240x128xf32, #tpu.memory_space<hbm>>) target(%arg11 : memref<125x128xf32, #tpu.memory_space<vmem>>) offsets(%dma_start3A_114 : memref<125xi32, #tpu.memory_space<vmem>>) semaphore(%arg14 : memref<!tpu.dma_semaphore, #tpu.memory_space<semaphore_mem>>)
    }
    %scan3A_22 = arith.constant 39 : i32
    %dma_wait3A = arith.constant 0 : i32
    %dma_wait3A_23 = arith.constant 0 : i32
    %dma_wait3A_24 = tpu.memref_slice %arg8[%dma_wait3A, %dma_wait3A_23] : memref<1x125xi32, #tpu.memory_space<vmem>> -> memref<1x125xi32, #tpu.memory_space<vmem>>
    %dma_wait3A_25 = tpu.memref_squeeze %dma_wait3A_24 : memref<1x125xi32, #tpu.memory_space<vmem>> -> memref<125xi32, #tpu.memory_space<vmem>>
    %dma_wait3A_26 = arith.constant 0 : i32
    %dma_wait3A_27 = arith.constant 0 : i32
    %dma_wait3A_28 = tpu.memref_slice %arg2[%dma_wait3A_26, %dma_wait3A_27] : memref<10240x128xf32, #tpu.memory_space<hbm>> -> memref<10240x128xf32, #tpu.memory_space<hbm>>
    tpu.wait_indirect_dma semaphore(%arg13 : memref<!tpu.dma_semaphore, #tpu.memory_space<semaphore_mem>>) src(%dma_wait3A_28 : memref<10240x128xf32, #tpu.memory_space<hbm>>) dst(%arg10 : memref<125x128xf32, #tpu.memory_space<vmem>>)
    %run_scoped3A_29 = arith.constant 78 : i32
    "tpu.region"() ({
      %run_scoped3A_43 = tpu.sem_alloc : memref<!tpu.dma_semaphore, #tpu.memory_space<semaphore_mem>>
      %dma_start3A_44 = arith.constant 0 : i32
      %dma_start3A_45 = tpu.memref_slice %arg7[%run_scoped3A_29, %dma_start3A_44] : memref<80x125xi32, #tpu.memory_space<vmem>> -> memref<1x125xi32, #tpu.memory_space<vmem>>
      %dma_start3A_46 = tpu.memref_squeeze %dma_start3A_45 : memref<1x125xi32, #tpu.memory_space<vmem>> -> memref<125xi32, #tpu.memory_space<vmem>>
      %dma_start3A_47 = arith.constant 0 : i32
      %dma_start3A_48 = arith.constant 0 : i32
      %dma_start3A_49 = tpu.memref_slice %arg12[%dma_start3A_47, %dma_start3A_48] : memref<10240x128xf32, #tpu.memory_space<vmem_shared>> -> memref<10240x128xf32, #tpu.memory_space<vmem_shared>>
      tpu.enqueue_indirect_dma source(%arg10 : memref<125x128xf32, #tpu.memory_space<vmem>>) target(%dma_start3A_49 : memref<10240x128xf32, #tpu.memory_space<vmem_shared>>) offsets(%dma_start3A_46 : memref<125xi32, #tpu.memory_space<vmem>>) semaphore(%run_scoped3A_43 : memref<!tpu.dma_semaphore, #tpu.memory_space<semaphore_mem>>) {add = true}
      %dma_wait3A_50 = arith.constant 0 : i32
      %dma_wait3A_51 = tpu.memref_slice %arg7[%run_scoped3A_29, %dma_wait3A_50] : memref<80x125xi32, #tpu.memory_space<vmem>> -> memref<1x125xi32, #tpu.memory_space<vmem>>
      %dma_wait3A_52 = tpu.memref_squeeze %dma_wait3A_51 : memref<1x125xi32, #tpu.memory_space<vmem>> -> memref<125xi32, #tpu.memory_space<vmem>>
      %dma_wait3A_53 = arith.constant 0 : i32
      %dma_wait3A_54 = arith.constant 0 : i32
      %dma_wait3A_55 = tpu.memref_slice %arg12[%dma_wait3A_53, %dma_wait3A_54] : memref<10240x128xf32, #tpu.memory_space<vmem_shared>> -> memref<10240x128xf32, #tpu.memory_space<vmem_shared>>
      tpu.wait_indirect_dma semaphore(%run_scoped3A_43 : memref<!tpu.dma_semaphore, #tpu.memory_space<semaphore_mem>>) src(%arg10 : memref<125x128xf32, #tpu.memory_space<vmem>>) dst(%dma_wait3A_55 : memref<10240x128xf32, #tpu.memory_space<vmem_shared>>)
      tpu.yield
    }) : () -> ()
    %dma_wait3A_30 = arith.constant 0 : i32
    %dma_wait3A_31 = arith.constant 0 : i32
    %dma_wait3A_32 = tpu.memref_slice %arg9[%dma_wait3A_30, %dma_wait3A_31] : memref<1x125xi32, #tpu.memory_space<vmem>> -> memref<1x125xi32, #tpu.memory_space<vmem>>
    %dma_wait3A_33 = tpu.memref_squeeze %dma_wait3A_32 : memref<1x125xi32, #tpu.memory_space<vmem>> -> memref<125xi32, #tpu.memory_space<vmem>>
    %dma_wait3A_34 = arith.constant 0 : i32
    %dma_wait3A_35 = arith.constant 0 : i32
    %dma_wait3A_36 = tpu.memref_slice %arg2[%dma_wait3A_34, %dma_wait3A_35] : memref<10240x128xf32, #tpu.memory_space<hbm>> -> memref<10240x128xf32, #tpu.memory_space<hbm>>
    tpu.wait_indirect_dma semaphore(%arg14 : memref<!tpu.dma_semaphore, #tpu.memory_space<semaphore_mem>>) src(%dma_wait3A_36 : memref<10240x128xf32, #tpu.memory_space<hbm>>) dst(%arg11 : memref<125x128xf32, #tpu.memory_space<vmem>>)
    %run_scoped3A_37 = arith.constant 79 : i32
    "tpu.region"() ({
      %run_scoped3A_43 = tpu.sem_alloc : memref<!tpu.dma_semaphore, #tpu.memory_space<semaphore_mem>>
      %dma_start3A_44 = arith.constant 0 : i32
      %dma_start3A_45 = tpu.memref_slice %arg7[%run_scoped3A_37, %dma_start3A_44] : memref<80x125xi32, #tpu.memory_space<vmem>> -> memref<1x125xi32, #tpu.memory_space<vmem>>
      %dma_start3A_46 = tpu.memref_squeeze %dma_start3A_45 : memref<1x125xi32, #tpu.memory_space<vmem>> -> memref<125xi32, #tpu.memory_space<vmem>>
      %dma_start3A_47 = arith.constant 0 : i32
      %dma_start3A_48 = arith.constant 0 : i32
      %dma_start3A_49 = tpu.memref_slice %arg12[%dma_start3A_47, %dma_start3A_48] : memref<10240x128xf32, #tpu.memory_space<vmem_shared>> -> memref<10240x128xf32, #tpu.memory_space<vmem_shared>>
      tpu.enqueue_indirect_dma source(%arg11 : memref<125x128xf32, #tpu.memory_space<vmem>>) target(%dma_start3A_49 : memref<10240x128xf32, #tpu.memory_space<vmem_shared>>) offsets(%dma_start3A_46 : memref<125xi32, #tpu.memory_space<vmem>>) semaphore(%run_scoped3A_43 : memref<!tpu.dma_semaphore, #tpu.memory_space<semaphore_mem>>) {add = true}
      %dma_wait3A_50 = arith.constant 0 : i32
      %dma_wait3A_51 = tpu.memref_slice %arg7[%run_scoped3A_37, %dma_wait3A_50] : memref<80x125xi32, #tpu.memory_space<vmem>> -> memref<1x125xi32, #tpu.memory_space<vmem>>
      %dma_wait3A_52 = tpu.memref_squeeze %dma_wait3A_51 : memref<1x125xi32, #tpu.memory_space<vmem>> -> memref<125xi32, #tpu.memory_space<vmem>>
      %dma_wait3A_53 = arith.constant 0 : i32
      %dma_wait3A_54 = arith.constant 0 : i32
      %dma_wait3A_55 = tpu.memref_slice %arg12[%dma_wait3A_53, %dma_wait3A_54] : memref<10240x128xf32, #tpu.memory_space<vmem_shared>> -> memref<10240x128xf32, #tpu.memory_space<vmem_shared>>
      tpu.wait_indirect_dma semaphore(%run_scoped3A_43 : memref<!tpu.dma_semaphore, #tpu.memory_space<semaphore_mem>>) src(%arg11 : memref<125x128xf32, #tpu.memory_space<vmem>>) dst(%dma_wait3A_55 : memref<10240x128xf32, #tpu.memory_space<vmem_shared>>)
      tpu.yield
    }) : () -> ()
    %barrier3A_38 = arith.constant 0 : index
    tpu.barrier barrier_id(%barrier3A_38)
    %mul3A_39 = arith.constant 640 : i32
    %mul3A_40 = arith.muli %arg1, %mul3A_39 : i32
    %mul3A_41 = arith.constant 640 : i32
    %mul3A_42 = arith.muli %arg1, %mul3A_41 : i32
    "tpu.region"() ({
      %run_scoped3A_43 = tpu.sem_alloc : memref<!tpu.dma_semaphore, #tpu.memory_space<semaphore_mem>>
      %dma_start3A_44 = arith.constant 0 : i32
      %dma_start3A_45 = tpu.memref_slice %arg6[%arg0, %mul3A_42, %dma_start3A_44] : memref<2x10240x128xf32, #tpu.memory_space<hbm>> -> memref<1x640x128xf32, #tpu.memory_space<hbm>>
      %dma_start3A_46 = tpu.memref_squeeze %dma_start3A_45 : memref<1x640x128xf32, #tpu.memory_space<hbm>> -> memref<640x128xf32, #tpu.memory_space<hbm>>
      %dma_start3A_47 = arith.constant 0 : i32
      %dma_start3A_48 = tpu.memref_slice %arg12[%mul3A_40, %dma_start3A_47] : memref<10240x128xf32, #tpu.memory_space<vmem_shared>> -> memref<640x128xf32, #tpu.memory_space<vmem_shared>>
      tpu.enqueue_dma source(%dma_start3A_48 : memref<640x128xf32, #tpu.memory_space<vmem_shared>>) target(%dma_start3A_46 : memref<640x128xf32, #tpu.memory_space<hbm>>) target_semaphore(%run_scoped3A_43 : memref<!tpu.dma_semaphore, #tpu.memory_space<semaphore_mem>>)
      %dma_wait3A_49 = arith.constant 0 : i32
      %dma_wait3A_50 = tpu.memref_slice %arg6[%arg0, %mul3A_42, %dma_wait3A_49] : memref<2x10240x128xf32, #tpu.memory_space<hbm>> -> memref<1x640x128xf32, #tpu.memory_space<hbm>>
      %dma_wait3A_51 = tpu.memref_squeeze %dma_wait3A_50 : memref<1x640x128xf32, #tpu.memory_space<hbm>> -> memref<640x128xf32, #tpu.memory_space<hbm>>
      %dma_wait3A_52 = arith.constant 0 : i32
      %dma_wait3A_53 = tpu.memref_slice %arg12[%mul3A_40, %dma_wait3A_52] : memref<10240x128xf32, #tpu.memory_space<vmem_shared>> -> memref<640x128xf32, #tpu.memory_space<vmem_shared>>
      tpu.wait_dma2 semaphore(%run_scoped3A_43 : memref<!tpu.dma_semaphore, #tpu.memory_space<semaphore_mem>>) src(%dma_wait3A_53 : memref<640x128xf32, #tpu.memory_space<vmem_shared>>) dst(%dma_wait3A_51 : memref<640x128xf32, #tpu.memory_space<hbm>>)
      tpu.yield
    }) : () -> ()
    return
  }
}

#map = affine_map<(d0, d1) -> (0, 0)>
#map1 = affine_map<(d0, d1) -> (0, 0, 0, 0)>
#map2 = affine_map<(d0, d1) -> (0, 0, 0)>
module attributes {stable_mosaic.version = 14 : i64} {
  func.func @_agg_body(%arg0: i32, %arg1: i32, %arg2: memref<10240x128xf32, #tpu.memory_space<hbm>>, %arg3: memref<32x80x1x125xi32, #tpu.memory_space<hbm>>, %arg4: memref<2560x125xi32, #tpu.memory_space<hbm>>, %arg5: memref<640x128xf32, #tpu.memory_space<hbm>>, %arg6: memref<2x10240x128xf32, #tpu.memory_space<hbm>>, %arg7: memref<80x125xi32, #tpu.memory_space<vmem>>, %arg8: memref<1x125xi32, #tpu.memory_space<vmem>>, %arg9: memref<1x125xi32, #tpu.memory_space<vmem>>, %arg10: memref<125x128xf32, #tpu.memory_space<vmem>>, %arg11: memref<125x128xf32, #tpu.memory_space<vmem>>, %arg12: memref<10240x128xf32, #tpu.memory_space<vmem_shared>>, %arg13: memref<!tpu.dma_semaphore, #tpu.memory_space<semaphore_mem>>, %arg14: memref<!tpu.dma_semaphore, #tpu.memory_space<semaphore_mem>>, %arg15: memref<!tpu.dma_semaphore, #tpu.memory_space<semaphore_mem>>, %arg16: memref<!tpu.dma_semaphore, #tpu.memory_space<semaphore_mem>>) attributes {dimension_semantics = [#tpu.dimension_semantics<core_parallel>, #tpu.dimension_semantics<subcore_parallel>], iteration_bounds = array<i64: 2, 16>, scalar_prefetch = 0 : i64, scratch_operands = 10 : i64, tpu.core_type = #tpu.core_type<sc_vector_subcore>, window_params = [{transform_indices = #map}, {transform_indices = #map1}, {transform_indices = #map}, {transform_indices = #map}, {transform_indices = #map2}]} {
    %mul3A = arith.constant 16 : i32
    %mul3A_0 = arith.muli %arg0, %mul3A : i32
    %add3A = arith.addi %mul3A_0, %arg1 : i32
    %mul3A_1 = arith.constant 640 : i32
    %mul3A_2 = arith.muli %arg1, %mul3A_1 : i32
    "tpu.region"() ({
      %run_scoped3A_43 = tpu.sem_alloc : memref<!tpu.dma_semaphore, #tpu.memory_space<semaphore_mem>>
      %dma_start3A_44 = arith.constant 0 : i32
      %dma_start3A_45 = tpu.memref_slice %arg12[%mul3A_2, %dma_start3A_44] : memref<10240x128xf32, #tpu.memory_space<vmem_shared>> -> memref<640x128xf32, #tpu.memory_space<vmem_shared>>
      tpu.enqueue_dma source(%arg5 : memref<640x128xf32, #tpu.memory_space<hbm>>) target(%dma_start3A_45 : memref<640x128xf32, #tpu.memory_space<vmem_shared>>) target_semaphore(%run_scoped3A_43 : memref<!tpu.dma_semaphore, #tpu.memory_space<semaphore_mem>>)
      %dma_wait3A_46 = arith.constant 0 : i32
      %dma_wait3A_47 = tpu.memref_slice %arg12[%mul3A_2, %dma_wait3A_46] : memref<10240x128xf32, #tpu.memory_space<vmem_shared>> -> memref<640x128xf32, #tpu.memory_space<vmem_shared>>
      tpu.wait_dma2 semaphore(%run_scoped3A_43 : memref<!tpu.dma_semaphore, #tpu.memory_space<semaphore_mem>>) src(%arg5 : memref<640x128xf32, #tpu.memory_space<hbm>>) dst(%dma_wait3A_47 : memref<640x128xf32, #tpu.memory_space<vmem_shared>>)
      tpu.yield
    }) : () -> ()
    %mul3A_3 = arith.constant 80 : i32
    %mul3A_4 = arith.muli %add3A, %mul3A_3 : i32
    "tpu.region"() ({
      %run_scoped3A_43 = tpu.sem_alloc : memref<!tpu.dma_semaphore, #tpu.memory_space<semaphore_mem>>
      %dma_start3A_44 = arith.constant 0 : i32
      %dma_start3A_45 = tpu.memref_slice %arg4[%mul3A_4, %dma_start3A_44] : memref<2560x125xi32, #tpu.memory_space<hbm>> -> memref<80x125xi32, #tpu.memory_space<hbm>>
      %dma_start3A_46 = arith.constant 0 : i32
      %dma_start3A_47 = tpu.memref_slice %arg4[%mul3A_4, %dma_start3A_46] : memref<2560x125xi32, #tpu.memory_space<hbm>> -> memref<80x125xi32, #tpu.memory_space<hbm>>
      tpu.enqueue_dma source(%dma_start3A_47 : memref<80x125xi32, #tpu.memory_space<hbm>>) target(%arg7 : memref<80x125xi32, #tpu.memory_space<vmem>>) target_semaphore(%run_scoped3A_43 : memref<!tpu.dma_semaphore, #tpu.memory_space<semaphore_mem>>)
      %dma_wait3A_48 = arith.constant 0 : i32
      %dma_wait3A_49 = tpu.memref_slice %arg4[%mul3A_4, %dma_wait3A_48] : memref<2560x125xi32, #tpu.memory_space<hbm>> -> memref<80x125xi32, #tpu.memory_space<hbm>>
      %dma_wait3A_50 = arith.constant 0 : i32
      %dma_wait3A_51 = tpu.memref_slice %arg4[%mul3A_4, %dma_wait3A_50] : memref<2560x125xi32, #tpu.memory_space<hbm>> -> memref<80x125xi32, #tpu.memory_space<hbm>>
      tpu.wait_dma2 semaphore(%run_scoped3A_43 : memref<!tpu.dma_semaphore, #tpu.memory_space<semaphore_mem>>) src(%dma_wait3A_51 : memref<80x125xi32, #tpu.memory_space<hbm>>) dst(%arg7 : memref<80x125xi32, #tpu.memory_space<vmem>>)
      tpu.yield
    }) : () -> ()
    %barrier3A = arith.constant 0 : index
    tpu.barrier barrier_id(%barrier3A)
    %run_scoped3A = arith.constant 0 : i32
    "tpu.region"() ({
      %run_scoped3A_43 = tpu.sem_alloc : memref<!tpu.dma_semaphore, #tpu.memory_space<semaphore_mem>>
      %dma_start3A_44 = arith.constant 0 : i32
      %dma_start3A_45 = arith.constant 0 : i32
      %dma_start3A_46 = tpu.memref_slice %arg3[%add3A, %run_scoped3A, %dma_start3A_44, %dma_start3A_45] : memref<32x80x1x125xi32, #tpu.memory_space<hbm>> -> memref<1x1x1x125xi32, #tpu.memory_space<hbm>>
      %dma_start3A_47 = tpu.memref_squeeze %dma_start3A_46 : memref<1x1x1x125xi32, #tpu.memory_space<hbm>> -> memref<1x125xi32, #tpu.memory_space<hbm>>
      %dma_start3A_48 = arith.constant 0 : i32
      %dma_start3A_49 = arith.constant 0 : i32
      %dma_start3A_50 = tpu.memref_slice %arg3[%add3A, %run_scoped3A, %dma_start3A_48, %dma_start3A_49] : memref<32x80x1x125xi32, #tpu.memory_space<hbm>> -> memref<1x1x1x125xi32, #tpu.memory_space<hbm>>
      %dma_start3A_51 = tpu.memref_squeeze %dma_start3A_50 : memref<1x1x1x125xi32, #tpu.memory_space<hbm>> -> memref<1x125xi32, #tpu.memory_space<hbm>>
      tpu.enqueue_dma source(%dma_start3A_51 : memref<1x125xi32, #tpu.memory_space<hbm>>) target(%arg8 : memref<1x125xi32, #tpu.memory_space<vmem>>) target_semaphore(%run_scoped3A_43 : memref<!tpu.dma_semaphore, #tpu.memory_space<semaphore_mem>>)
      %dma_wait3A_52 = arith.constant 0 : i32
      %dma_wait3A_53 = arith.constant 0 : i32
      %dma_wait3A_54 = tpu.memref_slice %arg3[%add3A, %run_scoped3A, %dma_wait3A_52, %dma_wait3A_53] : memref<32x80x1x125xi32, #tpu.memory_space<hbm>> -> memref<1x1x1x125xi32, #tpu.memory_space<hbm>>
      %dma_wait3A_55 = tpu.memref_squeeze %dma_wait3A_54 : memref<1x1x1x125xi32, #tpu.memory_space<hbm>> -> memref<1x125xi32, #tpu.memory_space<hbm>>
      %dma_wait3A_56 = arith.constant 0 : i32
      %dma_wait3A_57 = arith.constant 0 : i32
      %dma_wait3A_58 = tpu.memref_slice %arg3[%add3A, %run_scoped3A, %dma_wait3A_56, %dma_wait3A_57] : memref<32x80x1x125xi32, #tpu.memory_space<hbm>> -> memref<1x1x1x125xi32, #tpu.memory_space<hbm>>
      %dma_wait3A_59 = tpu.memref_squeeze %dma_wait3A_58 : memref<1x1x1x125xi32, #tpu.memory_space<hbm>> -> memref<1x125xi32, #tpu.memory_space<hbm>>
      tpu.wait_dma2 semaphore(%run_scoped3A_43 : memref<!tpu.dma_semaphore, #tpu.memory_space<semaphore_mem>>) src(%dma_wait3A_59 : memref<1x125xi32, #tpu.memory_space<hbm>>) dst(%arg8 : memref<1x125xi32, #tpu.memory_space<vmem>>)
      tpu.yield
    }) : () -> ()
    %run_scoped3A_5 = arith.constant 1 : i32
    "tpu.region"() ({
      %run_scoped3A_43 = tpu.sem_alloc : memref<!tpu.dma_semaphore, #tpu.memory_space<semaphore_mem>>
      %dma_start3A_44 = arith.constant 0 : i32
      %dma_start3A_45 = arith.constant 0 : i32
      %dma_start3A_46 = tpu.memref_slice %arg3[%add3A, %run_scoped3A_5, %dma_start3A_44, %dma_start3A_45] : memref<32x80x1x125xi32, #tpu.memory_space<hbm>> -> memref<1x1x1x125xi32, #tpu.memory_space<hbm>>
      %dma_start3A_47 = tpu.memref_squeeze %dma_start3A_46 : memref<1x1x1x125xi32, #tpu.memory_space<hbm>> -> memref<1x125xi32, #tpu.memory_space<hbm>>
      %dma_start3A_48 = arith.constant 0 : i32
      %dma_start3A_49 = arith.constant 0 : i32
      %dma_start3A_50 = tpu.memref_slice %arg3[%add3A, %run_scoped3A_5, %dma_start3A_48, %dma_start3A_49] : memref<32x80x1x125xi32, #tpu.memory_space<hbm>> -> memref<1x1x1x125xi32, #tpu.memory_space<hbm>>
      %dma_start3A_51 = tpu.memref_squeeze %dma_start3A_50 : memref<1x1x1x125xi32, #tpu.memory_space<hbm>> -> memref<1x125xi32, #tpu.memory_space<hbm>>
      tpu.enqueue_dma source(%dma_start3A_51 : memref<1x125xi32, #tpu.memory_space<hbm>>) target(%arg9 : memref<1x125xi32, #tpu.memory_space<vmem>>) target_semaphore(%run_scoped3A_43 : memref<!tpu.dma_semaphore, #tpu.memory_space<semaphore_mem>>)
      %dma_wait3A_52 = arith.constant 0 : i32
      %dma_wait3A_53 = arith.constant 0 : i32
      %dma_wait3A_54 = tpu.memref_slice %arg3[%add3A, %run_scoped3A_5, %dma_wait3A_52, %dma_wait3A_53] : memref<32x80x1x125xi32, #tpu.memory_space<hbm>> -> memref<1x1x1x125xi32, #tpu.memory_space<hbm>>
      %dma_wait3A_55 = tpu.memref_squeeze %dma_wait3A_54 : memref<1x1x1x125xi32, #tpu.memory_space<hbm>> -> memref<1x125xi32, #tpu.memory_space<hbm>>
      %dma_wait3A_56 = arith.constant 0 : i32
      %dma_wait3A_57 = arith.constant 0 : i32
      %dma_wait3A_58 = tpu.memref_slice %arg3[%add3A, %run_scoped3A_5, %dma_wait3A_56, %dma_wait3A_57] : memref<32x80x1x125xi32, #tpu.memory_space<hbm>> -> memref<1x1x1x125xi32, #tpu.memory_space<hbm>>
      %dma_wait3A_59 = tpu.memref_squeeze %dma_wait3A_58 : memref<1x1x1x125xi32, #tpu.memory_space<hbm>> -> memref<1x125xi32, #tpu.memory_space<hbm>>
      tpu.wait_dma2 semaphore(%run_scoped3A_43 : memref<!tpu.dma_semaphore, #tpu.memory_space<semaphore_mem>>) src(%dma_wait3A_59 : memref<1x125xi32, #tpu.memory_space<hbm>>) dst(%arg9 : memref<1x125xi32, #tpu.memory_space<vmem>>)
      tpu.yield
    }) : () -> ()
    %dma_start3A = arith.constant 0 : i32
    %dma_start3A_6 = arith.constant 0 : i32
    %dma_start3A_7 = tpu.memref_slice %arg8[%dma_start3A, %dma_start3A_6] : memref<1x125xi32, #tpu.memory_space<vmem>> -> memref<1x125xi32, #tpu.memory_space<vmem>>
    %dma_start3A_8 = tpu.memref_squeeze %dma_start3A_7 : memref<1x125xi32, #tpu.memory_space<vmem>> -> memref<125xi32, #tpu.memory_space<vmem>>
    %dma_start3A_9 = arith.constant 0 : i32
    %dma_start3A_10 = arith.constant 0 : i32
    %dma_start3A_11 = tpu.memref_slice %arg2[%dma_start3A_9, %dma_start3A_10] : memref<10240x128xf32, #tpu.memory_space<hbm>> -> memref<10240x128xf32, #tpu.memory_space<hbm>>
    tpu.enqueue_indirect_dma source(%dma_start3A_11 : memref<10240x128xf32, #tpu.memory_space<hbm>>) target(%arg10 : memref<125x128xf32, #tpu.memory_space<vmem>>) offsets(%dma_start3A_8 : memref<125xi32, #tpu.memory_space<vmem>>) semaphore(%arg13 : memref<!tpu.dma_semaphore, #tpu.memory_space<semaphore_mem>>)
    %dma_start3A_12 = arith.constant 0 : i32
    %dma_start3A_13 = arith.constant 0 : i32
    %dma_start3A_14 = tpu.memref_slice %arg9[%dma_start3A_12, %dma_start3A_13] : memref<1x125xi32, #tpu.memory_space<vmem>> -> memref<1x125xi32, #tpu.memory_space<vmem>>
    %dma_start3A_15 = tpu.memref_squeeze %dma_start3A_14 : memref<1x125xi32, #tpu.memory_space<vmem>> -> memref<125xi32, #tpu.memory_space<vmem>>
    %dma_start3A_16 = arith.constant 0 : i32
    %dma_start3A_17 = arith.constant 0 : i32
    %dma_start3A_18 = tpu.memref_slice %arg2[%dma_start3A_16, %dma_start3A_17] : memref<10240x128xf32, #tpu.memory_space<hbm>> -> memref<10240x128xf32, #tpu.memory_space<hbm>>
    tpu.enqueue_indirect_dma source(%dma_start3A_18 : memref<10240x128xf32, #tpu.memory_space<hbm>>) target(%arg11 : memref<125x128xf32, #tpu.memory_space<vmem>>) offsets(%dma_start3A_15 : memref<125xi32, #tpu.memory_space<vmem>>) semaphore(%arg14 : memref<!tpu.dma_semaphore, #tpu.memory_space<semaphore_mem>>)
    %scan3A = arith.constant 0 : i32
    %scan3A_19 = arith.constant 39 : i32
    %scan3A_20 = arith.addi %scan3A, %scan3A_19 : i32
    %scan3A_21 = arith.constant 1 : i32
    scf.for %scan3A_43 = %scan3A to %scan3A_20 step %scan3A_21  : i32 {
      %mul3A_44 = arith.constant 2 : i32
      %mul3A_45 = arith.muli %scan3A_43, %mul3A_44 : i32
      %add3A_46 = arith.constant 0 : i32
      %add3A_47 = arith.addi %add3A_46, %mul3A_45 : i32
      %dma_wait3A_48 = arith.constant 0 : i32
      %dma_wait3A_49 = arith.constant 0 : i32
      %dma_wait3A_50 = tpu.memref_slice %arg8[%dma_wait3A_48, %dma_wait3A_49] : memref<1x125xi32, #tpu.memory_space<vmem>> -> memref<1x125xi32, #tpu.memory_space<vmem>>
      %dma_wait3A_51 = tpu.memref_squeeze %dma_wait3A_50 : memref<1x125xi32, #tpu.memory_space<vmem>> -> memref<125xi32, #tpu.memory_space<vmem>>
      %dma_wait3A_52 = arith.constant 0 : i32
      %dma_wait3A_53 = arith.constant 0 : i32
      %dma_wait3A_54 = tpu.memref_slice %arg2[%dma_wait3A_52, %dma_wait3A_53] : memref<10240x128xf32, #tpu.memory_space<hbm>> -> memref<10240x128xf32, #tpu.memory_space<hbm>>
      tpu.wait_indirect_dma semaphore(%arg13 : memref<!tpu.dma_semaphore, #tpu.memory_space<semaphore_mem>>) src(%dma_wait3A_54 : memref<10240x128xf32, #tpu.memory_space<hbm>>) dst(%arg10 : memref<125x128xf32, #tpu.memory_space<vmem>>)
      %add3A_55 = arith.constant 2 : i32
      %add3A_56 = arith.addi %add3A_47, %add3A_55 : i32
      %dma_start3A_57 = arith.constant 0 : i32
      %dma_start3A_58 = arith.constant 0 : i32
      %dma_start3A_59 = tpu.memref_slice %arg3[%add3A, %add3A_56, %dma_start3A_57, %dma_start3A_58] : memref<32x80x1x125xi32, #tpu.memory_space<hbm>> -> memref<1x1x1x125xi32, #tpu.memory_space<hbm>>
      %dma_start3A_60 = tpu.memref_squeeze %dma_start3A_59 : memref<1x1x1x125xi32, #tpu.memory_space<hbm>> -> memref<1x125xi32, #tpu.memory_space<hbm>>
      %dma_start3A_61 = arith.constant 0 : i32
      %dma_start3A_62 = arith.constant 0 : i32
      %dma_start3A_63 = tpu.memref_slice %arg3[%add3A, %add3A_56, %dma_start3A_61, %dma_start3A_62] : memref<32x80x1x125xi32, #tpu.memory_space<hbm>> -> memref<1x1x1x125xi32, #tpu.memory_space<hbm>>
      %dma_start3A_64 = tpu.memref_squeeze %dma_start3A_63 : memref<1x1x1x125xi32, #tpu.memory_space<hbm>> -> memref<1x125xi32, #tpu.memory_space<hbm>>
      tpu.enqueue_dma source(%dma_start3A_64 : memref<1x125xi32, #tpu.memory_space<hbm>>) target(%arg8 : memref<1x125xi32, #tpu.memory_space<vmem>>) target_semaphore(%arg15 : memref<!tpu.dma_semaphore, #tpu.memory_space<semaphore_mem>>)
      "tpu.region"() ({
        %run_scoped3A_118 = tpu.sem_alloc : memref<!tpu.dma_semaphore, #tpu.memory_space<semaphore_mem>>
        %dma_start3A_119 = arith.constant 0 : i32
        %dma_start3A_120 = tpu.memref_slice %arg7[%add3A_47, %dma_start3A_119] : memref<80x125xi32, #tpu.memory_space<vmem>> -> memref<1x125xi32, #tpu.memory_space<vmem>>
        %dma_start3A_121 = tpu.memref_squeeze %dma_start3A_120 : memref<1x125xi32, #tpu.memory_space<vmem>> -> memref<125xi32, #tpu.memory_space<vmem>>
        %dma_start3A_122 = arith.constant 0 : i32
        %dma_start3A_123 = arith.constant 0 : i32
        %dma_start3A_124 = tpu.memref_slice %arg12[%dma_start3A_122, %dma_start3A_123] : memref<10240x128xf32, #tpu.memory_space<vmem_shared>> -> memref<10240x128xf32, #tpu.memory_space<vmem_shared>>
        tpu.enqueue_indirect_dma source(%arg10 : memref<125x128xf32, #tpu.memory_space<vmem>>) target(%dma_start3A_124 : memref<10240x128xf32, #tpu.memory_space<vmem_shared>>) offsets(%dma_start3A_121 : memref<125xi32, #tpu.memory_space<vmem>>) semaphore(%run_scoped3A_118 : memref<!tpu.dma_semaphore, #tpu.memory_space<semaphore_mem>>) {add = true}
        %dma_wait3A_125 = arith.constant 0 : i32
        %dma_wait3A_126 = tpu.memref_slice %arg7[%add3A_47, %dma_wait3A_125] : memref<80x125xi32, #tpu.memory_space<vmem>> -> memref<1x125xi32, #tpu.memory_space<vmem>>
        %dma_wait3A_127 = tpu.memref_squeeze %dma_wait3A_126 : memref<1x125xi32, #tpu.memory_space<vmem>> -> memref<125xi32, #tpu.memory_space<vmem>>
        %dma_wait3A_128 = arith.constant 0 : i32
        %dma_wait3A_129 = arith.constant 0 : i32
        %dma_wait3A_130 = tpu.memref_slice %arg12[%dma_wait3A_128, %dma_wait3A_129] : memref<10240x128xf32, #tpu.memory_space<vmem_shared>> -> memref<10240x128xf32, #tpu.memory_space<vmem_shared>>
        tpu.wait_indirect_dma semaphore(%run_scoped3A_118 : memref<!tpu.dma_semaphore, #tpu.memory_space<semaphore_mem>>) src(%arg10 : memref<125x128xf32, #tpu.memory_space<vmem>>) dst(%dma_wait3A_130 : memref<10240x128xf32, #tpu.memory_space<vmem_shared>>)
        tpu.yield
      }) : () -> ()
      %add3A_65 = arith.constant 2 : i32
      %add3A_66 = arith.addi %add3A_47, %add3A_65 : i32
      %dma_wait3A_67 = arith.constant 0 : i32
      %dma_wait3A_68 = arith.constant 0 : i32
      %dma_wait3A_69 = tpu.memref_slice %arg3[%add3A, %add3A_66, %dma_wait3A_67, %dma_wait3A_68] : memref<32x80x1x125xi32, #tpu.memory_space<hbm>> -> memref<1x1x1x125xi32, #tpu.memory_space<hbm>>
      %dma_wait3A_70 = tpu.memref_squeeze %dma_wait3A_69 : memref<1x1x1x125xi32, #tpu.memory_space<hbm>> -> memref<1x125xi32, #tpu.memory_space<hbm>>
      %dma_wait3A_71 = arith.constant 0 : i32
      %dma_wait3A_72 = arith.constant 0 : i32
      %dma_wait3A_73 = tpu.memref_slice %arg3[%add3A, %add3A_66, %dma_wait3A_71, %dma_wait3A_72] : memref<32x80x1x125xi32, #tpu.memory_space<hbm>> -> memref<1x1x1x125xi32, #tpu.memory_space<hbm>>
      %dma_wait3A_74 = tpu.memref_squeeze %dma_wait3A_73 : memref<1x1x1x125xi32, #tpu.memory_space<hbm>> -> memref<1x125xi32, #tpu.memory_space<hbm>>
      tpu.wait_dma2 semaphore(%arg15 : memref<!tpu.dma_semaphore, #tpu.memory_space<semaphore_mem>>) src(%dma_wait3A_74 : memref<1x125xi32, #tpu.memory_space<hbm>>) dst(%arg8 : memref<1x125xi32, #tpu.memory_space<vmem>>)
      %dma_start3A_75 = arith.constant 0 : i32
      %dma_start3A_76 = arith.constant 0 : i32
      %dma_start3A_77 = tpu.memref_slice %arg8[%dma_start3A_75, %dma_start3A_76] : memref<1x125xi32, #tpu.memory_space<vmem>> -> memref<1x125xi32, #tpu.memory_space<vmem>>
      %dma_start3A_78 = tpu.memref_squeeze %dma_start3A_77 : memref<1x125xi32, #tpu.memory_space<vmem>> -> memref<125xi32, #tpu.memory_space<vmem>>
      %dma_start3A_79 = arith.constant 0 : i32
      %dma_start3A_80 = arith.constant 0 : i32
      %dma_start3A_81 = tpu.memref_slice %arg2[%dma_start3A_79, %dma_start3A_80] : memref<10240x128xf32, #tpu.memory_space<hbm>> -> memref<10240x128xf32, #tpu.memory_space<hbm>>
      tpu.enqueue_indirect_dma source(%dma_start3A_81 : memref<10240x128xf32, #tpu.memory_space<hbm>>) target(%arg10 : memref<125x128xf32, #tpu.memory_space<vmem>>) offsets(%dma_start3A_78 : memref<125xi32, #tpu.memory_space<vmem>>) semaphore(%arg13 : memref<!tpu.dma_semaphore, #tpu.memory_space<semaphore_mem>>)
      %dma_wait3A_82 = arith.constant 0 : i32
      %dma_wait3A_83 = arith.constant 0 : i32
      %dma_wait3A_84 = tpu.memref_slice %arg9[%dma_wait3A_82, %dma_wait3A_83] : memref<1x125xi32, #tpu.memory_space<vmem>> -> memref<1x125xi32, #tpu.memory_space<vmem>>
      %dma_wait3A_85 = tpu.memref_squeeze %dma_wait3A_84 : memref<1x125xi32, #tpu.memory_space<vmem>> -> memref<125xi32, #tpu.memory_space<vmem>>
      %dma_wait3A_86 = arith.constant 0 : i32
      %dma_wait3A_87 = arith.constant 0 : i32
      %dma_wait3A_88 = tpu.memref_slice %arg2[%dma_wait3A_86, %dma_wait3A_87] : memref<10240x128xf32, #tpu.memory_space<hbm>> -> memref<10240x128xf32, #tpu.memory_space<hbm>>
      tpu.wait_indirect_dma semaphore(%arg14 : memref<!tpu.dma_semaphore, #tpu.memory_space<semaphore_mem>>) src(%dma_wait3A_88 : memref<10240x128xf32, #tpu.memory_space<hbm>>) dst(%arg11 : memref<125x128xf32, #tpu.memory_space<vmem>>)
      %add3A_89 = arith.constant 3 : i32
      %add3A_90 = arith.addi %add3A_47, %add3A_89 : i32
      %dma_start3A_91 = arith.constant 0 : i32
      %dma_start3A_92 = arith.constant 0 : i32
      %dma_start3A_93 = tpu.memref_slice %arg3[%add3A, %add3A_90, %dma_start3A_91, %dma_start3A_92] : memref<32x80x1x125xi32, #tpu.memory_space<hbm>> -> memref<1x1x1x125xi32, #tpu.memory_space<hbm>>
      %dma_start3A_94 = tpu.memref_squeeze %dma_start3A_93 : memref<1x1x1x125xi32, #tpu.memory_space<hbm>> -> memref<1x125xi32, #tpu.memory_space<hbm>>
      %dma_start3A_95 = arith.constant 0 : i32
      %dma_start3A_96 = arith.constant 0 : i32
      %dma_start3A_97 = tpu.memref_slice %arg3[%add3A, %add3A_90, %dma_start3A_95, %dma_start3A_96] : memref<32x80x1x125xi32, #tpu.memory_space<hbm>> -> memref<1x1x1x125xi32, #tpu.memory_space<hbm>>
      %dma_start3A_98 = tpu.memref_squeeze %dma_start3A_97 : memref<1x1x1x125xi32, #tpu.memory_space<hbm>> -> memref<1x125xi32, #tpu.memory_space<hbm>>
      tpu.enqueue_dma source(%dma_start3A_98 : memref<1x125xi32, #tpu.memory_space<hbm>>) target(%arg9 : memref<1x125xi32, #tpu.memory_space<vmem>>) target_semaphore(%arg16 : memref<!tpu.dma_semaphore, #tpu.memory_space<semaphore_mem>>)
      %add3A_99 = arith.constant 1 : i32
      %add3A_100 = arith.addi %add3A_47, %add3A_99 : i32
      "tpu.region"() ({
        %run_scoped3A_118 = tpu.sem_alloc : memref<!tpu.dma_semaphore, #tpu.memory_space<semaphore_mem>>
        %dma_start3A_119 = arith.constant 0 : i32
        %dma_start3A_120 = tpu.memref_slice %arg7[%add3A_100, %dma_start3A_119] : memref<80x125xi32, #tpu.memory_space<vmem>> -> memref<1x125xi32, #tpu.memory_space<vmem>>
        %dma_start3A_121 = tpu.memref_squeeze %dma_start3A_120 : memref<1x125xi32, #tpu.memory_space<vmem>> -> memref<125xi32, #tpu.memory_space<vmem>>
        %dma_start3A_122 = arith.constant 0 : i32
        %dma_start3A_123 = arith.constant 0 : i32
        %dma_start3A_124 = tpu.memref_slice %arg12[%dma_start3A_122, %dma_start3A_123] : memref<10240x128xf32, #tpu.memory_space<vmem_shared>> -> memref<10240x128xf32, #tpu.memory_space<vmem_shared>>
        tpu.enqueue_indirect_dma source(%arg11 : memref<125x128xf32, #tpu.memory_space<vmem>>) target(%dma_start3A_124 : memref<10240x128xf32, #tpu.memory_space<vmem_shared>>) offsets(%dma_start3A_121 : memref<125xi32, #tpu.memory_space<vmem>>) semaphore(%run_scoped3A_118 : memref<!tpu.dma_semaphore, #tpu.memory_space<semaphore_mem>>) {add = true}
        %dma_wait3A_125 = arith.constant 0 : i32
        %dma_wait3A_126 = tpu.memref_slice %arg7[%add3A_100, %dma_wait3A_125] : memref<80x125xi32, #tpu.memory_space<vmem>> -> memref<1x125xi32, #tpu.memory_space<vmem>>
        %dma_wait3A_127 = tpu.memref_squeeze %dma_wait3A_126 : memref<1x125xi32, #tpu.memory_space<vmem>> -> memref<125xi32, #tpu.memory_space<vmem>>
        %dma_wait3A_128 = arith.constant 0 : i32
        %dma_wait3A_129 = arith.constant 0 : i32
        %dma_wait3A_130 = tpu.memref_slice %arg12[%dma_wait3A_128, %dma_wait3A_129] : memref<10240x128xf32, #tpu.memory_space<vmem_shared>> -> memref<10240x128xf32, #tpu.memory_space<vmem_shared>>
        tpu.wait_indirect_dma semaphore(%run_scoped3A_118 : memref<!tpu.dma_semaphore, #tpu.memory_space<semaphore_mem>>) src(%arg11 : memref<125x128xf32, #tpu.memory_space<vmem>>) dst(%dma_wait3A_130 : memref<10240x128xf32, #tpu.memory_space<vmem_shared>>)
        tpu.yield
      }) : () -> ()
      %add3A_101 = arith.constant 3 : i32
      %add3A_102 = arith.addi %add3A_47, %add3A_101 : i32
      %dma_wait3A_103 = arith.constant 0 : i32
      %dma_wait3A_104 = arith.constant 0 : i32
      %dma_wait3A_105 = tpu.memref_slice %arg3[%add3A, %add3A_102, %dma_wait3A_103, %dma_wait3A_104] : memref<32x80x1x125xi32, #tpu.memory_space<hbm>> -> memref<1x1x1x125xi32, #tpu.memory_space<hbm>>
      %dma_wait3A_106 = tpu.memref_squeeze %dma_wait3A_105 : memref<1x1x1x125xi32, #tpu.memory_space<hbm>> -> memref<1x125xi32, #tpu.memory_space<hbm>>
      %dma_wait3A_107 = arith.constant 0 : i32
      %dma_wait3A_108 = arith.constant 0 : i32
      %dma_wait3A_109 = tpu.memref_slice %arg3[%add3A, %add3A_102, %dma_wait3A_107, %dma_wait3A_108] : memref<32x80x1x125xi32, #tpu.memory_space<hbm>> -> memref<1x1x1x125xi32, #tpu.memory_space<hbm>>
      %dma_wait3A_110 = tpu.memref_squeeze %dma_wait3A_109 : memref<1x1x1x125xi32, #tpu.memory_space<hbm>> -> memref<1x125xi32, #tpu.memory_space<hbm>>
      tpu.wait_dma2 semaphore(%arg16 : memref<!tpu.dma_semaphore, #tpu.memory_space<semaphore_mem>>) src(%dma_wait3A_110 : memref<1x125xi32, #tpu.memory_space<hbm>>) dst(%arg9 : memref<1x125xi32, #tpu.memory_space<vmem>>)
      %dma_start3A_111 = arith.constant 0 : i32
      %dma_start3A_112 = arith.constant 0 : i32
      %dma_start3A_113 = tpu.memref_slice %arg9[%dma_start3A_111, %dma_start3A_112] : memref<1x125xi32, #tpu.memory_space<vmem>> -> memref<1x125xi32, #tpu.memory_space<vmem>>
      %dma_start3A_114 = tpu.memref_squeeze %dma_start3A_113 : memref<1x125xi32, #tpu.memory_space<vmem>> -> memref<125xi32, #tpu.memory_space<vmem>>
      %dma_start3A_115 = arith.constant 0 : i32
      %dma_start3A_116 = arith.constant 0 : i32
      %dma_start3A_117 = tpu.memref_slice %arg2[%dma_start3A_115, %dma_start3A_116] : memref<10240x128xf32, #tpu.memory_space<hbm>> -> memref<10240x128xf32, #tpu.memory_space<hbm>>
      tpu.enqueue_indirect_dma source(%dma_start3A_117 : memref<10240x128xf32, #tpu.memory_space<hbm>>) target(%arg11 : memref<125x128xf32, #tpu.memory_space<vmem>>) offsets(%dma_start3A_114 : memref<125xi32, #tpu.memory_space<vmem>>) semaphore(%arg14 : memref<!tpu.dma_semaphore, #tpu.memory_space<semaphore_mem>>)
    }
    %scan3A_22 = arith.constant 39 : i32
    %dma_wait3A = arith.constant 0 : i32
    %dma_wait3A_23 = arith.constant 0 : i32
    %dma_wait3A_24 = tpu.memref_slice %arg8[%dma_wait3A, %dma_wait3A_23] : memref<1x125xi32, #tpu.memory_space<vmem>> -> memref<1x125xi32, #tpu.memory_space<vmem>>
    %dma_wait3A_25 = tpu.memref_squeeze %dma_wait3A_24 : memref<1x125xi32, #tpu.memory_space<vmem>> -> memref<125xi32, #tpu.memory_space<vmem>>
    %dma_wait3A_26 = arith.constant 0 : i32
    %dma_wait3A_27 = arith.constant 0 : i32
    %dma_wait3A_28 = tpu.memref_slice %arg2[%dma_wait3A_26, %dma_wait3A_27] : memref<10240x128xf32, #tpu.memory_space<hbm>> -> memref<10240x128xf32, #tpu.memory_space<hbm>>
    tpu.wait_indirect_dma semaphore(%arg13 : memref<!tpu.dma_semaphore, #tpu.memory_space<semaphore_mem>>) src(%dma_wait3A_28 : memref<10240x128xf32, #tpu.memory_space<hbm>>) dst(%arg10 : memref<125x128xf32, #tpu.memory_space<vmem>>)
    %run_scoped3A_29 = arith.constant 78 : i32
    "tpu.region"() ({
      %run_scoped3A_43 = tpu.sem_alloc : memref<!tpu.dma_semaphore, #tpu.memory_space<semaphore_mem>>
      %dma_start3A_44 = arith.constant 0 : i32
      %dma_start3A_45 = tpu.memref_slice %arg7[%run_scoped3A_29, %dma_start3A_44] : memref<80x125xi32, #tpu.memory_space<vmem>> -> memref<1x125xi32, #tpu.memory_space<vmem>>
      %dma_start3A_46 = tpu.memref_squeeze %dma_start3A_45 : memref<1x125xi32, #tpu.memory_space<vmem>> -> memref<125xi32, #tpu.memory_space<vmem>>
      %dma_start3A_47 = arith.constant 0 : i32
      %dma_start3A_48 = arith.constant 0 : i32
      %dma_start3A_49 = tpu.memref_slice %arg12[%dma_start3A_47, %dma_start3A_48] : memref<10240x128xf32, #tpu.memory_space<vmem_shared>> -> memref<10240x128xf32, #tpu.memory_space<vmem_shared>>
      tpu.enqueue_indirect_dma source(%arg10 : memref<125x128xf32, #tpu.memory_space<vmem>>) target(%dma_start3A_49 : memref<10240x128xf32, #tpu.memory_space<vmem_shared>>) offsets(%dma_start3A_46 : memref<125xi32, #tpu.memory_space<vmem>>) semaphore(%run_scoped3A_43 : memref<!tpu.dma_semaphore, #tpu.memory_space<semaphore_mem>>) {add = true}
      %dma_wait3A_50 = arith.constant 0 : i32
      %dma_wait3A_51 = tpu.memref_slice %arg7[%run_scoped3A_29, %dma_wait3A_50] : memref<80x125xi32, #tpu.memory_space<vmem>> -> memref<1x125xi32, #tpu.memory_space<vmem>>
      %dma_wait3A_52 = tpu.memref_squeeze %dma_wait3A_51 : memref<1x125xi32, #tpu.memory_space<vmem>> -> memref<125xi32, #tpu.memory_space<vmem>>
      %dma_wait3A_53 = arith.constant 0 : i32
      %dma_wait3A_54 = arith.constant 0 : i32
      %dma_wait3A_55 = tpu.memref_slice %arg12[%dma_wait3A_53, %dma_wait3A_54] : memref<10240x128xf32, #tpu.memory_space<vmem_shared>> -> memref<10240x128xf32, #tpu.memory_space<vmem_shared>>
      tpu.wait_indirect_dma semaphore(%run_scoped3A_43 : memref<!tpu.dma_semaphore, #tpu.memory_space<semaphore_mem>>) src(%arg10 : memref<125x128xf32, #tpu.memory_space<vmem>>) dst(%dma_wait3A_55 : memref<10240x128xf32, #tpu.memory_space<vmem_shared>>)
      tpu.yield
    }) : () -> ()
    %dma_wait3A_30 = arith.constant 0 : i32
    %dma_wait3A_31 = arith.constant 0 : i32
    %dma_wait3A_32 = tpu.memref_slice %arg9[%dma_wait3A_30, %dma_wait3A_31] : memref<1x125xi32, #tpu.memory_space<vmem>> -> memref<1x125xi32, #tpu.memory_space<vmem>>
    %dma_wait3A_33 = tpu.memref_squeeze %dma_wait3A_32 : memref<1x125xi32, #tpu.memory_space<vmem>> -> memref<125xi32, #tpu.memory_space<vmem>>
    %dma_wait3A_34 = arith.constant 0 : i32
    %dma_wait3A_35 = arith.constant 0 : i32
    %dma_wait3A_36 = tpu.memref_slice %arg2[%dma_wait3A_34, %dma_wait3A_35] : memref<10240x128xf32, #tpu.memory_space<hbm>> -> memref<10240x128xf32, #tpu.memory_space<hbm>>
    tpu.wait_indirect_dma semaphore(%arg14 : memref<!tpu.dma_semaphore, #tpu.memory_space<semaphore_mem>>) src(%dma_wait3A_36 : memref<10240x128xf32, #tpu.memory_space<hbm>>) dst(%arg11 : memref<125x128xf32, #tpu.memory_space<vmem>>)
    %run_scoped3A_37 = arith.constant 79 : i32
    "tpu.region"() ({
      %run_scoped3A_43 = tpu.sem_alloc : memref<!tpu.dma_semaphore, #tpu.memory_space<semaphore_mem>>
      %dma_start3A_44 = arith.constant 0 : i32
      %dma_start3A_45 = tpu.memref_slice %arg7[%run_scoped3A_37, %dma_start3A_44] : memref<80x125xi32, #tpu.memory_space<vmem>> -> memref<1x125xi32, #tpu.memory_space<vmem>>
      %dma_start3A_46 = tpu.memref_squeeze %dma_start3A_45 : memref<1x125xi32, #tpu.memory_space<vmem>> -> memref<125xi32, #tpu.memory_space<vmem>>
      %dma_start3A_47 = arith.constant 0 : i32
      %dma_start3A_48 = arith.constant 0 : i32
      %dma_start3A_49 = tpu.memref_slice %arg12[%dma_start3A_47, %dma_start3A_48] : memref<10240x128xf32, #tpu.memory_space<vmem_shared>> -> memref<10240x128xf32, #tpu.memory_space<vmem_shared>>
      tpu.enqueue_indirect_dma source(%arg11 : memref<125x128xf32, #tpu.memory_space<vmem>>) target(%dma_start3A_49 : memref<10240x128xf32, #tpu.memory_space<vmem_shared>>) offsets(%dma_start3A_46 : memref<125xi32, #tpu.memory_space<vmem>>) semaphore(%run_scoped3A_43 : memref<!tpu.dma_semaphore, #tpu.memory_space<semaphore_mem>>) {add = true}
      %dma_wait3A_50 = arith.constant 0 : i32
      %dma_wait3A_51 = tpu.memref_slice %arg7[%run_scoped3A_37, %dma_wait3A_50] : memref<80x125xi32, #tpu.memory_space<vmem>> -> memref<1x125xi32, #tpu.memory_space<vmem>>
      %dma_wait3A_52 = tpu.memref_squeeze %dma_wait3A_51 : memref<1x125xi32, #tpu.memory_space<vmem>> -> memref<125xi32, #tpu.memory_space<vmem>>
      %dma_wait3A_53 = arith.constant 0 : i32
      %dma_wait3A_54 = arith.constant 0 : i32
      %dma_wait3A_55 = tpu.memref_slice %arg12[%dma_wait3A_53, %dma_wait3A_54] : memref<10240x128xf32, #tpu.memory_space<vmem_shared>> -> memref<10240x128xf32, #tpu.memory_space<vmem_shared>>
      tpu.wait_indirect_dma semaphore(%run_scoped3A_43 : memref<!tpu.dma_semaphore, #tpu.memory_space<semaphore_mem>>) src(%arg11 : memref<125x128xf32, #tpu.memory_space<vmem>>) dst(%dma_wait3A_55 : memref<10240x128xf32, #tpu.memory_space<vmem_shared>>)
      tpu.yield
    }) : () -> ()
    %barrier3A_38 = arith.constant 0 : index
    tpu.barrier barrier_id(%barrier3A_38)
    %mul3A_39 = arith.constant 640 : i32
    %mul3A_40 = arith.muli %arg1, %mul3A_39 : i32
    %mul3A_41 = arith.constant 640 : i32
    %mul3A_42 = arith.muli %arg1, %mul3A_41 : i32
    "tpu.region"() ({
      %run_scoped3A_43 = tpu.sem_alloc : memref<!tpu.dma_semaphore, #tpu.memory_space<semaphore_mem>>
      %dma_start3A_44 = arith.constant 0 : i32
      %dma_start3A_45 = tpu.memref_slice %arg6[%arg0, %mul3A_42, %dma_start3A_44] : memref<2x10240x128xf32, #tpu.memory_space<hbm>> -> memref<1x640x128xf32, #tpu.memory_space<hbm>>
      %dma_start3A_46 = tpu.memref_squeeze %dma_start3A_45 : memref<1x640x128xf32, #tpu.memory_space<hbm>> -> memref<640x128xf32, #tpu.memory_space<hbm>>
      %dma_start3A_47 = arith.constant 0 : i32
      %dma_start3A_48 = tpu.memref_slice %arg12[%mul3A_40, %dma_start3A_47] : memref<10240x128xf32, #tpu.memory_space<vmem_shared>> -> memref<640x128xf32, #tpu.memory_space<vmem_shared>>
      tpu.enqueue_dma source(%dma_start3A_48 : memref<640x128xf32, #tpu.memory_space<vmem_shared>>) target(%dma_start3A_46 : memref<640x128xf32, #tpu.memory_space<hbm>>) target_semaphore(%run_scoped3A_43 : memref<!tpu.dma_semaphore, #tpu.memory_space<semaphore_mem>>)
      %dma_wait3A_49 = arith.constant 0 : i32
      %dma_wait3A_50 = tpu.memref_slice %arg6[%arg0, %mul3A_42, %dma_wait3A_49] : memref<2x10240x128xf32, #tpu.memory_space<hbm>> -> memref<1x640x128xf32, #tpu.memory_space<hbm>>
      %dma_wait3A_51 = tpu.memref_squeeze %dma_wait3A_50 : memref<1x640x128xf32, #tpu.memory_space<hbm>> -> memref<640x128xf32, #tpu.memory_space<hbm>>
      %dma_wait3A_52 = arith.constant 0 : i32
      %dma_wait3A_53 = tpu.memref_slice %arg12[%mul3A_40, %dma_wait3A_52] : memref<10240x128xf32, #tpu.memory_space<vmem_shared>> -> memref<640x128xf32, #tpu.memory_space<vmem_shared>>
      tpu.wait_dma2 semaphore(%run_scoped3A_43 : memref<!tpu.dma_semaphore, #tpu.memory_space<semaphore_mem>>) src(%dma_wait3A_53 : memref<640x128xf32, #tpu.memory_space<vmem_shared>>) dst(%dma_wait3A_51 : memref<640x128xf32, #tpu.memory_space<hbm>>)
      tpu.yield
    }) : () -> ()
    return
  }
}

module attributes {stable_mosaic.version = 14 : i64} {
  func.func @_mm_scale_body(%arg0: i32, %arg1: memref<512x128xf32, #tpu.memory_space<vmem>>, %arg2: memref<128x128xf32, #tpu.memory_space<vmem>>, %arg3: memref<32x1x512xf32, #tpu.memory_space<vmem>>, %arg4: memref<512x128xf32, #tpu.memory_space<vmem>>, %arg5: memref<512x1xf32, #tpu.memory_space<vmem>>) attributes {dimension_semantics = [#tpu.dimension_semantics<arbitrary>], iteration_bounds = array<i64: 20>, scalar_prefetch = 0 : i64, scratch_operands = 0 : i64, tpu.core_type = #tpu.core_type<tc>, window_params = [{transform_indices = @transform_0, window_bounds = array<i64: 512, 128>}, {pipeline_mode = #tpu.pipeline_mode<synchronous>, transform_indices = @transform_1, window_bounds = array<i64: 128, 128>}, {transform_indices = @transform_2, window_bounds = array<i64: 32, 1, 512>}, {transform_indices = @transform_3, window_bounds = array<i64: 512, 128>}, {transform_indices = @transform_4, window_bounds = array<i64: 512, 1>}]} {
    %get3A = arith.constant 0 : index
    %get3A_0 = arith.constant 0 : index
    %get3A_1 = arith.constant 0 : index
    %get3A_2 = vector.load %arg3[%get3A, %get3A_0, %get3A_1] : memref<32x1x512xf32, #tpu.memory_space<vmem>>, vector<32x1x512xf32>
    %reduce_sum3A = arith.constant dense<0.000000e+00> : vector<512xf32>
    %reduce_sum3A_3 = vector.multi_reduction <add>, %get3A_2, %reduce_sum3A [0, 1] : vector<32x1x512xf32> to vector<512xf32>
    %add3A = arith.constant 1.000000e+00 : f32
    %add3A_4 = vector.broadcast %add3A : f32 to vector<512xf32>
    %add3A_5 = arith.addf %reduce_sum3A_3, %add3A_4 : vector<512xf32>
    %rsqrt3A = math.rsqrt %add3A_5 : vector<512xf32>
    %broadcast_in_dim3A = vector.shape_cast %rsqrt3A : vector<512xf32> to vector<1x512xf32>
    %iota3A = tpu.iota {dimensions = array<i32: 0>} : vector<512x512xi32>
    %iota3A_6 = tpu.iota {dimensions = array<i32: 1>} : vector<512x512xi32>
    %eq3A = arith.cmpi eq, %iota3A, %iota3A_6 : vector<512x512xi32>
    %convert_element_type3A = arith.extui %eq3A : vector<512x512xi1> to vector<512x512xi32>
    %convert_element_type3A_7 = arith.sitofp %convert_element_type3A : vector<512x512xi32> to vector<512x512xf32>
    %mul3A = vector.broadcast %broadcast_in_dim3A : vector<1x512xf32> to vector<512x512xf32>
    %mul3A_8 = arith.mulf %convert_element_type3A_7, %mul3A : vector<512x512xf32>
    %broadcast_in_dim3A_9 = arith.constant 1.000000e+00 : f32
    %broadcast_in_dim3A_10 = vector.broadcast %broadcast_in_dim3A_9 : f32 to vector<512x1xf32>
    %dot_general3A = arith.constant dense<0.000000e+00> : vector<512x1xf32>
    %dot_general3A_11 = tpu.matmul %mul3A_8, %broadcast_in_dim3A_10, %dot_general3A {dimension_numbers = #tpu.dot_dimension_numbers<[1], [0], [0], [1], [0, 0, 1, 1], [], []>, precision = #tpu.contract_precision<fp32>, transpose_lhs_hint = false} : vector<512x512xf32>, vector<512x1xf32>, vector<512x1xf32> -> vector<512x1xf32>
    %swap3A = arith.constant 0 : index
    %swap3A_12 = arith.constant 0 : index
    %swap3A_13 = vector.load %arg5[%swap3A, %swap3A_12] : memref<512x1xf32, #tpu.memory_space<vmem>>, vector<512x1xf32>
    tpu.vector_store %arg5[%swap3A, %swap3A_12], %dot_general3A_11 {strides = array<i32>} : memref<512x1xf32, #tpu.memory_space<vmem>>, vector<512x1xf32>,
    %get3A_14 = arith.constant 0 : index
    %get3A_15 = arith.constant 0 : index
    %get3A_16 = vector.load %arg1[%get3A_14, %get3A_15] : memref<512x128xf32, #tpu.memory_space<vmem>>, vector<512x128xf32>
    %get3A_17 = arith.constant 0 : index
    %get3A_18 = arith.constant 0 : index
    %get3A_19 = vector.load %arg2[%get3A_17, %get3A_18] : memref<128x128xf32, #tpu.memory_space<vmem>>, vector<128x128xf32>
    %dot_general3A_20 = arith.constant dense<0.000000e+00> : vector<512x128xf32>
    %dot_general3A_21 = tpu.matmul %get3A_16, %get3A_19, %dot_general3A_20 {dimension_numbers = #tpu.dot_dimension_numbers<[1], [0], [0], [1], [0, 0, 1, 1], [], []>, precision = #tpu.contract_precision<fp32>, transpose_lhs_hint = false} : vector<512x128xf32>, vector<128x128xf32>, vector<512x128xf32> -> vector<512x128xf32>
    %mul3A_22 = vector.broadcast %dot_general3A_11 : vector<512x1xf32> to vector<512x128xf32>
    %mul3A_23 = arith.mulf %dot_general3A_21, %mul3A_22 : vector<512x128xf32>
    %swap3A_24 = arith.constant 0 : index
    %swap3A_25 = arith.constant 0 : index
    %swap3A_26 = vector.load %arg4[%swap3A_24, %swap3A_25] : memref<512x128xf32, #tpu.memory_space<vmem>>, vector<512x128xf32>
    tpu.vector_store %arg4[%swap3A_24, %swap3A_25], %mul3A_23 {strides = array<i32>} : memref<512x128xf32, #tpu.memory_space<vmem>>, vector<512x128xf32>,
    return
  }
  func.func @transform_0(%arg0: i32) -> (i32, i32) {
    %c0_i32 = arith.constant 0 : i32
    %c0_i32_0 = arith.constant 0 : i32
    return %arg0, %c0_i32 : i32, i32
  }
  func.func @transform_1(%arg0: i32) -> (i32, i32) {
    %c0_i32 = arith.constant 0 : i32
    %c0_i32_0 = arith.constant 0 : i32
    %c0_i32_1 = arith.constant 0 : i32
    return %c0_i32, %c0_i32_0 : i32, i32
  }
  func.func @transform_2(%arg0: i32) -> (i32, i32, i32) {
    %c0_i32 = arith.constant 0 : i32
    %c0_i32_0 = arith.constant 0 : i32
    %c0_i32_1 = arith.constant 0 : i32
    return %c0_i32, %c0_i32_0, %arg0 : i32, i32, i32
  }
  func.func @transform_3(%arg0: i32) -> (i32, i32) {
    %c0_i32 = arith.constant 0 : i32
    %c0_i32_0 = arith.constant 0 : i32
    return %arg0, %c0_i32 : i32, i32
  }
  func.func @transform_4(%arg0: i32) -> (i32, i32) {
    %c0_i32 = arith.constant 0 : i32
    %c0_i32_0 = arith.constant 0 : i32
    return %arg0, %c0_i32 : i32, i32
  }
}

module attributes {stable_mosaic.version = 14 : i64} {
  func.func @_mid_body(%arg0: i32, %arg1: memref<2x512x128xf32, #tpu.memory_space<vmem>>, %arg2: memref<512x128xf32, #tpu.memory_space<vmem>>, %arg3: memref<512x1xf32, #tpu.memory_space<vmem>>, %arg4: memref<1x128xf32, #tpu.memory_space<vmem>>, %arg5: memref<128x128xf32, #tpu.memory_space<vmem>>, %arg6: memref<512x128xf32, #tpu.memory_space<vmem>>) attributes {dimension_semantics = [#tpu.dimension_semantics<arbitrary>], iteration_bounds = array<i64: 20>, scalar_prefetch = 0 : i64, scratch_operands = 0 : i64, tpu.core_type = #tpu.core_type<tc>, window_params = [{transform_indices = @transform_0, window_bounds = array<i64: 2, 512, 128>}, {transform_indices = @transform_1, window_bounds = array<i64: 512, 128>}, {transform_indices = @transform_2, window_bounds = array<i64: 512, 1>}, {pipeline_mode = #tpu.pipeline_mode<synchronous>, transform_indices = @transform_3, window_bounds = array<i64: 1, 128>}, {pipeline_mode = #tpu.pipeline_mode<synchronous>, transform_indices = @transform_4, window_bounds = array<i64: 128, 128>}, {transform_indices = @transform_5, window_bounds = array<i64: 512, 128>}]} {
    %get3A = arith.constant 0 : index
    %get3A_0 = arith.constant 0 : index
    %get3A_1 = vector.load %arg3[%get3A, %get3A_0] : memref<512x1xf32, #tpu.memory_space<vmem>>, vector<512x1xf32>
    %get3A_2 = arith.constant 0 : index
    %get3A_3 = arith.constant 0 : index
    %get3A_4 = arith.constant 0 : index
    %get3A_5 = vector.load %arg1[%get3A_2, %get3A_3, %get3A_4] : memref<2x512x128xf32, #tpu.memory_space<vmem>>, vector<1x512x128xf32>
    %get3A_6 = vector.shape_cast %get3A_5 : vector<1x512x128xf32> to vector<512x128xf32>
    %get3A_7 = arith.constant 1 : index
    %get3A_8 = arith.constant 0 : index
    %get3A_9 = arith.constant 0 : index
    %get3A_10 = vector.load %arg1[%get3A_7, %get3A_8, %get3A_9] : memref<2x512x128xf32, #tpu.memory_space<vmem>>, vector<1x512x128xf32>
    %get3A_11 = vector.shape_cast %get3A_10 : vector<1x512x128xf32> to vector<512x128xf32>
    %add3A = arith.addf %get3A_6, %get3A_11 : vector<512x128xf32>
    %get3A_12 = arith.constant 0 : index
    %get3A_13 = arith.constant 0 : index
    %get3A_14 = vector.load %arg2[%get3A_12, %get3A_13] : memref<512x128xf32, #tpu.memory_space<vmem>>, vector<512x128xf32>
    %add3A_15 = arith.addf %add3A, %get3A_14 : vector<512x128xf32>
    %mul3A = vector.broadcast %get3A_1 : vector<512x1xf32> to vector<512x128xf32>
    %mul3A_16 = arith.mulf %add3A_15, %mul3A : vector<512x128xf32>
    %get3A_17 = arith.constant 0 : index
    %get3A_18 = arith.constant 0 : index
    %get3A_19 = vector.load %arg4[%get3A_17, %get3A_18] : memref<1x128xf32, #tpu.memory_space<vmem>>, vector<1x128xf32>
    %add3A_20 = vector.broadcast %get3A_19 : vector<1x128xf32> to vector<512x128xf32>
    %add3A_21 = arith.addf %mul3A_16, %add3A_20 : vector<512x128xf32>
    %max3A = arith.constant 0.000000e+00 : f32
    %max3A_22 = vector.broadcast %max3A : f32 to vector<512x128xf32>
    %max3A_23 = arith.maximumf %add3A_21, %max3A_22 : vector<512x128xf32>
    %get3A_24 = arith.constant 0 : index
    %get3A_25 = arith.constant 0 : index
    %get3A_26 = vector.load %arg5[%get3A_24, %get3A_25] : memref<128x128xf32, #tpu.memory_space<vmem>>, vector<128x128xf32>
    %dot_general3A = arith.constant dense<0.000000e+00> : vector<512x128xf32>
    %dot_general3A_27 = tpu.matmul %max3A_23, %get3A_26, %dot_general3A {dimension_numbers = #tpu.dot_dimension_numbers<[1], [0], [0], [1], [0, 0, 1, 1], [], []>, precision = #tpu.contract_precision<fp32>, transpose_lhs_hint = false} : vector<512x128xf32>, vector<128x128xf32>, vector<512x128xf32> -> vector<512x128xf32>
    %mul3A_28 = vector.broadcast %get3A_1 : vector<512x1xf32> to vector<512x128xf32>
    %mul3A_29 = arith.mulf %dot_general3A_27, %mul3A_28 : vector<512x128xf32>
    %swap3A = arith.constant 0 : index
    %swap3A_30 = arith.constant 0 : index
    %swap3A_31 = vector.load %arg6[%swap3A, %swap3A_30] : memref<512x128xf32, #tpu.memory_space<vmem>>, vector<512x128xf32>
    tpu.vector_store %arg6[%swap3A, %swap3A_30], %mul3A_29 {strides = array<i32>} : memref<512x128xf32, #tpu.memory_space<vmem>>, vector<512x128xf32>,
    return
  }
  func.func @transform_0(%arg0: i32) -> (i32, i32, i32) {
    %c0_i32 = arith.constant 0 : i32
    %c0_i32_0 = arith.constant 0 : i32
    %c0_i32_1 = arith.constant 0 : i32
    return %c0_i32, %arg0, %c0_i32_0 : i32, i32, i32
  }
  func.func @transform_1(%arg0: i32) -> (i32, i32) {
    %c0_i32 = arith.constant 0 : i32
    %c0_i32_0 = arith.constant 0 : i32
    return %arg0, %c0_i32 : i32, i32
  }
  func.func @transform_2(%arg0: i32) -> (i32, i32) {
    %c0_i32 = arith.constant 0 : i32
    %c0_i32_0 = arith.constant 0 : i32
    return %arg0, %c0_i32 : i32, i32
  }
  func.func @transform_3(%arg0: i32) -> (i32, i32) {
    %c0_i32 = arith.constant 0 : i32
    %c0_i32_0 = arith.constant 0 : i32
    %c0_i32_1 = arith.constant 0 : i32
    return %c0_i32, %c0_i32_0 : i32, i32
  }
  func.func @transform_4(%arg0: i32) -> (i32, i32) {
    %c0_i32 = arith.constant 0 : i32
    %c0_i32_0 = arith.constant 0 : i32
    %c0_i32_1 = arith.constant 0 : i32
    return %c0_i32, %c0_i32_0 : i32, i32
  }
  func.func @transform_5(%arg0: i32) -> (i32, i32) {
    %c0_i32 = arith.constant 0 : i32
    %c0_i32_0 = arith.constant 0 : i32
    return %arg0, %c0_i32 : i32, i32
  }
}

module attributes {stable_mosaic.version = 14 : i64} {
  func.func @_final_body(%arg0: i32, %arg1: memref<2x512x128xf32, #tpu.memory_space<vmem>>, %arg2: memref<512x128xf32, #tpu.memory_space<vmem>>, %arg3: memref<512x1xf32, #tpu.memory_space<vmem>>, %arg4: memref<1x128xf32, #tpu.memory_space<vmem>>, %arg5: memref<512x128xf32, #tpu.memory_space<vmem>>) attributes {dimension_semantics = [#tpu.dimension_semantics<arbitrary>], iteration_bounds = array<i64: 20>, scalar_prefetch = 0 : i64, scratch_operands = 0 : i64, tpu.core_type = #tpu.core_type<tc>, window_params = [{transform_indices = @transform_0, window_bounds = array<i64: 2, 512, 128>}, {transform_indices = @transform_1, window_bounds = array<i64: 512, 128>}, {transform_indices = @transform_2, window_bounds = array<i64: 512, 1>}, {pipeline_mode = #tpu.pipeline_mode<synchronous>, transform_indices = @transform_3, window_bounds = array<i64: 1, 128>}, {transform_indices = @transform_4, window_bounds = array<i64: 512, 128>}]} {
    %get3A = arith.constant 0 : index
    %get3A_0 = arith.constant 0 : index
    %get3A_1 = arith.constant 0 : index
    %get3A_2 = vector.load %arg1[%get3A, %get3A_0, %get3A_1] : memref<2x512x128xf32, #tpu.memory_space<vmem>>, vector<1x512x128xf32>
    %get3A_3 = vector.shape_cast %get3A_2 : vector<1x512x128xf32> to vector<512x128xf32>
    %get3A_4 = arith.constant 1 : index
    %get3A_5 = arith.constant 0 : index
    %get3A_6 = arith.constant 0 : index
    %get3A_7 = vector.load %arg1[%get3A_4, %get3A_5, %get3A_6] : memref<2x512x128xf32, #tpu.memory_space<vmem>>, vector<1x512x128xf32>
    %get3A_8 = vector.shape_cast %get3A_7 : vector<1x512x128xf32> to vector<512x128xf32>
    %add3A = arith.addf %get3A_3, %get3A_8 : vector<512x128xf32>
    %get3A_9 = arith.constant 0 : index
    %get3A_10 = arith.constant 0 : index
    %get3A_11 = vector.load %arg2[%get3A_9, %get3A_10] : memref<512x128xf32, #tpu.memory_space<vmem>>, vector<512x128xf32>
    %add3A_12 = arith.addf %add3A, %get3A_11 : vector<512x128xf32>
    %get3A_13 = arith.constant 0 : index
    %get3A_14 = arith.constant 0 : index
    %get3A_15 = vector.load %arg3[%get3A_13, %get3A_14] : memref<512x1xf32, #tpu.memory_space<vmem>>, vector<512x1xf32>
    %mul3A = vector.broadcast %get3A_15 : vector<512x1xf32> to vector<512x128xf32>
    %mul3A_16 = arith.mulf %add3A_12, %mul3A : vector<512x128xf32>
    %get3A_17 = arith.constant 0 : index
    %get3A_18 = arith.constant 0 : index
    %get3A_19 = vector.load %arg4[%get3A_17, %get3A_18] : memref<1x128xf32, #tpu.memory_space<vmem>>, vector<1x128xf32>
    %add3A_20 = vector.broadcast %get3A_19 : vector<1x128xf32> to vector<512x128xf32>
    %add3A_21 = arith.addf %mul3A_16, %add3A_20 : vector<512x128xf32>
    %swap3A = arith.constant 0 : index
    %swap3A_22 = arith.constant 0 : index
    %swap3A_23 = vector.load %arg5[%swap3A, %swap3A_22] : memref<512x128xf32, #tpu.memory_space<vmem>>, vector<512x128xf32>
    tpu.vector_store %arg5[%swap3A, %swap3A_22], %add3A_21 {strides = array<i32>} : memref<512x128xf32, #tpu.memory_space<vmem>>, vector<512x128xf32>,
    return
  }
  func.func @transform_0(%arg0: i32) -> (i32, i32, i32) {
    %c0_i32 = arith.constant 0 : i32
    %c0_i32_0 = arith.constant 0 : i32
    %c0_i32_1 = arith.constant 0 : i32
    return %c0_i32, %arg0, %c0_i32_0 : i32, i32, i32
  }
  func.func @transform_1(%arg0: i32) -> (i32, i32) {
    %c0_i32 = arith.constant 0 : i32
    %c0_i32_0 = arith.constant 0 : i32
    return %arg0, %c0_i32 : i32, i32
  }
  func.func @transform_2(%arg0: i32) -> (i32, i32) {
    %c0_i32 = arith.constant 0 : i32
    %c0_i32_0 = arith.constant 0 : i32
    return %arg0, %c0_i32 : i32, i32
  }
  func.func @transform_3(%arg0: i32) -> (i32, i32) {
    %c0_i32 = arith.constant 0 : i32
    %c0_i32_0 = arith.constant 0 : i32
    %c0_i32_1 = arith.constant 0 : i32
    return %c0_i32, %c0_i32_0 : i32, i32
  }
  func.func @transform_4(%arg0: i32) -> (i32, i32) {
    %c0_i32 = arith.constant 0 : i32
    %c0_i32_0 = arith.constant 0 : i32
    return %arg0, %c0_i32 : i32, i32
  }
}

</mosaic_0001>

<sc_bundles>
// kernel: kernel.11.cloned.1.call-start
scs
__scs_entry_jumppad:
0x0: {  	(pc) =	sbr.rel $0x88, $3  }
0x1: {  	(tag) =	ssettag $0x0;
	lr =	simm.s32 $0x1  }
0x2: {  	[smem:$0x3F9B] =	sst lr;
	_ =	strace $0xD0000000  }
0x3: {  	_ = 	snop  }
0x4: {  	_ = 	snop  }
0x5: {  	_ = 	snop  }
0x6: {  	_ = 	snop  }
0x7: {  	_ = 	snop  }
__scs_overlays_trampoline_lowered:
0x8: {  	[smem:$0x3FAA] =	sst s0  }
0x9: {  	[smem:$0x3FAB] =	sst s1  }
0xa: {  	[smem:$0x3FAC] =	sst s2  }
0xb: {  	[smem:$0x3FAD] =	sst s3  }
0xc: {  	[smem:$0x3FAE] =	sst s4  }
0xd: {  	[smem:$0x3FAF] =	sst s5  }
0xe: {  	[smem:$0x3FB0] =	sst s6  }
0xf: {  	[smem:$0x3FB1] =	sst s7  }
0x10: {  	[smem:$0x3FB2] =	sst s8  }
0x11: {  	[smem:$0x3FB3] =	sst s9;
	s0 =	simm.s32 @!p0 $0x0  }
0x12: {  	s1 =	sld [smem:$0x3F99];
	s0 =	simm.s32 @p0 $0x1  }
0x13: {  	[smem:$0x3FB4] =	sst s0;
	s0 =	simm.s32 @!p1 $0x0  }
0x14: {  	s2 =	sld [smem:$0x3F98];
	s0 =	simm.s32 @p1 $0x1  }
0x15: {  	[smem:$0x3FB5] =	sst s0;
	s0 =	simm.s32 @!p2 $0x0  }
0x16: {  	s3 =	sld [smem:$0x3FDB];
	s0 =	simm.s32 @p2 $0x1  }
0x17: {  	s4 =	simm.s32 $0x1BF5;
	[smem:$0x3FB7] =	sst s0  }
0x18: {  	s0 =	sld [smem:$0x3F9A];
	_ =	swait.ge [sflag:s4], $0x0  }
0x19: {  	s7 =	sld [smem:$0x3F9B]  }
0x1a: {  	s8 =	sadd.s32 $0xFFFFE003, lr  }
0x1b: {  	s9 =	sadd.s32 $0xFFFFFEF7, lr;
	s5 =	simm.s32 $0xFFFFFFFF;
	p2 =	slt.u32 s8, $0xFFFFF086  }
0x1c: {  	p1 =	slt.u32 s9, $0xF7A;
	s5 =	simm.s32 @!p2 $0x0  }
0x1d: {  	s5 =	simm.s32 @p1 $0x1;
	p0 =	seq.s32 s7, s2  }
0x1e: {  	s7 =	smul.u32 @!p0 $0xF7A, s2;
	p2 =	seq.s32 @!p0 s5, $0x0  }
0x1f: {  	s9 =	smul.u32 $0xF7A, s1;
	s8 =	simm.s32 @!p0 $0x1BF5;
	p2 =	por !p2, p0  }
0x20: {  	[sflag:s8] =	ssyncset.s32 @!p0 $0xFFFFF086;
	s6 =	sadd.s32 @!p0 s3, s7;
	s7 =	simm.s32 @!p0 $0x108  }
0x21: {  	s3 =	sadd.s32 s3, s9;
	s6 =	sadd.s32 @!p0 $0x88, s6;
	s7 =	simm.s32 @p2 $0x1082  }
0x22: {  	[simem:s7], [sflag:s8] =	dma.local @!p0 [hbm:s6], $0xF7A  }
0x23: {  	s9 =	sor.u32 $0xD0000000, s2;
	s6 =	simm.s32 $0x108;
	_ =	swait.ge @!p0 [sflag:s8], $0x0  }
0x24: {  	s3 =	sadd.s32 $0x88, s3;
	s6 =	simm.s32 @!p1 $0x1082;
	[sflag:s4] =	ssyncset.s32 $0xFFFFF086  }
0x25: {  	[simem:s6], [sflag:s4] =	dma.local [hbm:s3], $0xF7A  }
0x26: {  	[smem:$0x3F9B] =	sst s1;
	(tag) =	ssettag s2;
	_ =	strace s9  }
0x27: {  	s1 =	sld [smem:$0x3FAB]  }
0x28: {  	s2 =	sld [smem:$0x3FAC]  }
0x29: {  	s4 =	sld [smem:$0x3FAE]  }
0x2a: {  	p0 =	seq.s32 s5, $0x0;
	s5 =	sld [smem:$0x3FAF]  }
0x2b: {  	s6 =	sld [smem:$0x3FB0]  }
0x2c: {  	s7 =	sld [smem:$0x3FB1]  }
0x2d: {  	s3 =	simm.s32 $0x108;
	s8 =	sld [smem:$0x3FB2]  }
0x2e: {  	s3 =	simm.s32 @!p0 $0x1082;
	s9 =	sld [smem:$0x3FB3]  }
0x2f: {  	lr =	sadd.s32 s0, s3;
	s0 =	sld [smem:$0x3FAA]  }
0x30: {  	s3 =	sld [smem:$0x3FAD]  }
0x31: {  	[smem:$0x3FB6] =	sst s10  }
0x32: {  	s10 =	sld [smem:$0x3FB4];
	_ =	sdelay $0x3  }
0x33: {  	p0 =	seq.s32 s10, $0x1;
	s10 =	sld [smem:$0x3FB6];
	_ =	sdelay $0x3  }
0x34: {  	[smem:$0x3FB6] =	sst s10  }
0x35: {  	s10 =	sld [smem:$0x3FB5];
	_ =	sdelay $0x3  }
0x36: {  	p1 =	seq.s32 s10, $0x1;
	s10 =	sld [smem:$0x3FB6];
	_ =	sdelay $0x3  }
0x37: {  	[smem:$0x3FB6] =	sst s10  }
0x38: {  	s10 =	sld [smem:$0x3FB7]  }
0x39: {  	_ = 	snop;
	(pc) =	sbr.ind lr, $3  }
0x3a: {  	_ = 	snop  }
0x3b: {  	_ = 	snop  }
0x3c: {  	p2 =	seq.s32 s10, $0x1;
	s10 =	sld [smem:$0x3FB6]  }
0x3d: {  	_ =	shalt  }
0x3e: {  	_ =	shalt  }
0x3f: {  	_ =	shalt  }
0x40: {  	_ =	shalt  }
0x41: {  	_ =	shalt  }
0x42: {  	_ =	shalt  }
0x43: {  	_ =	shalt  }
0x44: {  	_ =	shalt  }
0x45: {  	_ =	shalt  }
0x46: {  	_ =	shalt  }
0x47: {  	_ =	shalt  }
0x48: {  	_ =	shalt  }
0x49: {  	_ =	shalt  }
0x4a: {  	_ =	shalt  }
0x4b: {  	_ =	shalt  }
0x4c: {  	_ =	shalt  }
0x4d: {  	_ =	shalt  }
0x4e: {  	_ =	shalt  }
0x4f: {  	_ =	shalt  }
0x50: {  	_ =	shalt  }
0x51: {  	_ =	shalt  }
0x52: {  	_ =	shalt  }
0x53: {  	_ =	shalt  }
0x54: {  	_ =	shalt  }
0x55: {  	_ =	shalt  }
0x56: {  	_ =	shalt  }
0x57: {  	_ =	shalt  }
0x58: {  	_ =	shalt  }
0x59: {  	_ =	shalt  }
0x5a: {  	_ =	shalt  }
0x5b: {  	_ =	shalt  }
0x5c: {  	_ =	shalt  }
0x5d: {  	_ =	shalt  }
0x5e: {  	_ =	shalt  }
0x5f: {  	_ =	shalt  }
0x60: {  	_ =	shalt  }
0x61: {  	_ =	shalt  }
0x62: {  	_ =	shalt  }
0x63: {  	_ =	shalt  }
0x64: {  	_ =	shalt  }
0x65: {  	_ =	shalt  }
0x66: {  	_ =	shalt  }
0x67: {  	_ =	shalt  }
0x68: {  	_ =	shalt  }
0x69: {  	_ =	shalt  }
0x6a: {  	_ =	shalt  }
0x6b: {  	_ =	shalt  }
0x6c: {  	_ =	shalt  }
0x6d: {  	_ =	shalt  }
0x6e: {  	_ =	shalt  }
0x6f: {  	_ =	shalt  }
0x70: {  	_ =	shalt  }
0x71: {  	_ =	shalt  }
0x72: {  	_ =	shalt  }
0x73: {  	_ =	shalt  }
0x74: {  	_ =	shalt  }
0x75: {  	_ =	shalt  }
0x76: {  	_ =	shalt  }
0x77: {  	_ =	shalt  }
0x78: {  	_ =	shalt  }
0x79: {  	_ =	shalt  }
0x7a: {  	_ =	shalt  }
0x7b: {  	_ =	shalt  }
0x7c: {  	_ =	shalt  }
0x7d: {  	_ =	shalt  }
0x7e: {  	_ =	shalt  }
0x7f: {  	_ =	shalt  }
0x80: {  	_ =	shalt  }
0x81: {  	_ =	shalt  }
0x82: {  	_ =	shalt  }
0x83: {  	_ =	shalt  }
0x84: {  	_ =	shalt  }
0x85: {  	_ =	shalt  }
0x86: {  	_ =	shalt  }
0x87: {  	_ =	shalt  }
.Lfunc_end0:
.L_simem_size_0:
called_computation.1_lowered:
.L_overlay_start_0:
0x88: {  	s2 =	sld [smem:$0x3FD9]  }
0x89: {  	s3 =	sld [smem:$0x3FFE];
	_ =	sdelay $0x1  }
0x8a: {  	s1 =	srdreg.scid  }
0x8b: {  	s0 =	sand.u32 $0x1, s1  }
0x8c: {  	s17 =	sshll.u32 s0, $0xA;
	s2 =	sadd.s32 s3, s2  }
0x8d: {  	s2 =	sadd.s32 s2, s17  }
0x8e: {  	[smem:$0x3FC2] =	sst s2  }
0x8f: {  	_ = 	snop  }
0x90: {  	s2 =	sld [smem:$0x3FD0];
	(tm) =	ssettm $0x1  }
0x91: {  	s18 =	sld [smem:$0x3FFB];
	_ =	sdelay $0x3  }
0x92: {  	_ =	strace s18  }
0x93: {  	s3 =	sld [smem:$0x3FFC];
	_ =	sdelay $0x3  }
0x94: {  	_ =	strace s3  }
0x95: {  	s3 =	sld [smem:$0x3FFD];
	_ =	sdelay $0x3  }
0x96: {  	_ =	strace s3  }
0x97: {  	_ =	strace $0x8FFFFFFF  }
0x98: {  	s19 =	sld [smem:$0x3FDB];
	_ =	sdelay $0x1  }
0x99: {  	s4 =	simm.s32 $_scs_section_size  }
0x9a: {  	s5 =	simm.s32 $_size__tile_overlayer_lowered;
	s6 =	simm.s32 $_tile_overlayer_lowered  }
0x9b: {  	s22 =	simm.s32 $0x1BFF;
	s21 =	sshll.u32 s6, $0x1;
	s3 =	sadd.s32 s4, s19  }
0x9c: {  	s7 =	simm.s32 $0x0;
	s20 =	sshll.u32 s5, $0x1;
	s5 =	sadd.s32 s21, s3  }
0x9d: {  	[timem:s7], [sflag:s22] =	dma.local [hbm:s5], s20  }
0x9e: {  	_ =	swait.ge [sflag:s22], s20  }
0x9f: {  	s4 =	ssub.s32 $0x0, s20;
	[sflag:s22] =	ssyncset.done $0x0  }
0xa0: {  	[sflag:s22] =	ssyncadd.s32 s4;
	_ =	sdelay $0x1  }
0xa1: {  	s23 =	simm.s32 $0x1B8B  }
0xa2: {  	_ =	swait.ge [sflag:s23], $0x1  }
0xa3: {  	[sflag:s23] =	ssyncset.done $0x0  }
0xa4: {  	s25 =	simm.s32 $0x1B8E;
	s24 =	sld [smem:$0x3FFE];
	[sflag:s23] =	ssyncadd.s32 $0xFFFFFFFF  }
0xa5: {  	s26 =	simm.s32 $execute0_lowered;
	[smem:$0x3FD2] =	sst s25  }
0xa6: {  	s5 =	sshll.u32 s26, $0x1;
	_ =	strace $0x80000049;
	[dreg:$0x1] =	wrdreg $0xFFFFFFFF  }
0xa7: {  	s28 =	simm.s32 $_size_execute0_lowered;
	s3 =	sadd.s32 s3, s5;
	[dreg:$0x0] =	wrdreg $0x0  }
0xa8: {  	s5 =	sshll.u32 s28, $0x1;
	[dreg:$0x2] =	wrdreg s3  }
0xa9: {  	[dreg:$0x3] =	wrdreg s5  }
0xaa: {  	[dreg:$0x4] =	wrdreg $0xC0  }
0xab: {  	_ =	task [dreg:s7], $0x5FFFF  }
0xac: {  	[dreg:$0x1] =	wrdreg $0xFFFFFFFF  }
0xad: {  	[dreg:$0x0] =	wrdreg $0x60  }
0xae: {  	[dreg:$0x2] =	wrdreg s24  }
0xaf: {  	[dreg:$0x3] =	wrdreg s2  }
0xb0: {  	[dreg:$0x4] =	wrdreg $0xA9000  }
0xb1: {  	[dreg:$0x5] =	wrdreg $0x9  }
0xb2: {  	_ =	task.clear_ibuf [dreg:s7], $0x6FFFF;
	_ =	strace $0x90000049  }
0xb3: {  	s29 =	simm.s32 $0x9;
	_ =	strace $0x8000004B  }
0xb4: {  	_ =	swait.ge [sflag:s29], $0x1  }
0xb5: {  	[sflag:s29] =	ssyncadd.s32 $0xFFFFFFFF  }
0xb6: {  	_ =	strace $0x9000004B  }
0xb7: {  	_ =	sfence  }
0xb8: {  	s30 =	sld [smem:$0x0];
	_ =	sdelay $0x2  }
0xb9: {  	s31 =	sshll.u32 s1, $0xD;
	s1 =	sshrl.u32 s1, $0x2  }
0xba: {  	s3 =	sand.u32 $0x4000, s31;
	s1 =	sadd.s32 s1, s30  }
0xbb: {  	s0 =	sor.u32 s3, s0;
	s1 =	sshll.u32 s1, $0x11  }
0xbc: {  	s0 =	sor.u32 s1, s0  }
0xbd: {  	s0 =	sadd.s32 $0x8F2B, s0  }
0xbe: {  	[sflag:s0] =	ssyncadd.remote.s32 $0x1  }
0xbf: {  	_ =	sfence.sel $0xFFFF  }
0xc0: {  	[dreg:$0x0] =	wrdreg $0xFFFFFFFF;
	(pc) =	sbr.abs _section_cstart, $3  }
0xc1: {  	[dreg:$0x1] =	wrdreg $0xFFFFFFFF  }
0xc2: {  	_ =	task.clear_ibuf [dreg:s7], $0x2FFFF;
	_ =	strace $0x9FFFFFFF  }
0xc3: {  	(tm) =	ssettm $0x7FFFFFFF  }
tec
execute0_lowered:
.L_overlay_start_1:
0x0: {  	(tag) =	ssettag $0x1  }
0x1: {  	s7 =	rddreg [dreg:$0x0]  }
0x2: {  	s13 =	rddreg [dreg:$0x1]  }
0x3: {  	s0 =	srdreg.scid;
	s2 =	rddreg [dreg:$0x2]  }
0x4: {  	s3 =	simm.s32 $0x0;
	s17 =	simm.s32 $0x2880;
	s6 =	sand.u32 $0x1, s0  }
0x5: {  	s18 =	simm.s32 $0x7D;
	s0 =	stileid.u32;
	s9 =	smul.u32 $0x140000, s6  }
0x6: {  	s19 =	simm.s32 $0x2900;
	s28 =	simm.s32 $0x0;
	s10 =	smul.u32 $0x14000, s0  }
0x7: {  	[smem:$0x7FF] =	sst s3;
	s4 =	sadd.s32 $0x20800, s7;
	s20 =	smul.u32 $0x50000, s0  }
0x8: {  	s1 =	sshll.u32 s6, $0x4;
	_ =	strace $0x8000004A;
	s22 =	smul.u32 $0x28000, s6  }
0x9: {  	s12 =	ssub.s32 $0x2, s6;
	s24 =	smul.u32 $0x2800, s0;
	s25 =	sshll.u32 s0, $0x6  }
0xa: {  	s8 =	sor.u32 s0, s1;
	s21 =	sshrl.u32 s12, $0x1;
	s6 =	sor.u32 $0x1C05, s25  }
0xb: {  	s25 =	simm.s32 $0x2700;
	s5 =	smul.u32 $0x500, s8;
	s9 =	sadd.s32 s10, s9  }
0xc: {  	s8 =	smul.u32 $0x2800, s8;
	s12 =	ssub.s32 s12, s21;
	s23 =	sshrl.u32 s20, $0x2  }
0xd: {  	s16 =	sadd.s32 s24, s22;
	s20 =	simm.s32 $0x6900;
	s21 =	simm.s32 $0x1  }
0xe: {  	s22 =	simm.s32 $0x3;
	s24 =	simm.s32 $0x4;
	s9 =	sshrl.u32 s9, $0x3  }
0xf: {  	s15 =	sadd.s32 s23, s2;
	s29 =	sor.u32 $0x180, s16;
	s16 =	sor.u32 $0x100, s16  }
0x10: {  	s23 =	simm.s32 $0x2;
	s11 =	sadd.s32 s5, s7;
	s5 =	sadd.s32 $0x2A00, s7  }
0x11: {  	s14 =	sadd.s32 s9, s7;
	s26 =	sshrl.u32 s8, $0x3;
	s30 =	sshrl.u32 s29, $0x3  }
0x12: {  	s31 =	sshrl.u32 s16, $0x3;
	s16 =	simm.s32 $0x2800;
	s7 =	sadd.s32 s13, s26  }
0x13: {  	s8 =	sadd.s32 $0x16800, s11;
	s10 =	sadd.s32 $0x48800, s14;
	s11 =	smax.u32 s12, $0x1  }
0x14: {  	s12 =	sadd.s32 s30, s13;
	s13 =	sadd.s32 s31, s13;
	s14 =	sshrl.u32 s15, $0x3  }
0x15: {  	s15 =	simm.s32 $0x5;
	s26 =	simm.s32 $0x2780;
	s9 =	sadd.s32 $0x10, s7  }
.LBB2_1:
0x16: {  	[spmem:s14], [sflag:s6] =	dma.local [hbm:s5], $0x2800  }
0x17: {  	_ =	swait.ge [sflag:s15], $0x2800  }
0x18: {  	[sflag:s15] =	ssyncset.done $0x0  }
0x19: {  	[sflag:s15] =	ssyncadd.s32 $0xFFFFD800  }
0x1a: {  	[tilespmem:s3], [sflag:$0x5] =	stream.linear.gather [hbm4b:s8+s3], $0x2800, $0x38;
	[tilespmem:$0x1E900] =	vst v63  }
0x1b: {  	_ =	swait.ge [sflag:s15], $0x2800  }
0x1c: {  	[sflag:s15] =	ssyncset.done $0x0  }
0x1d: {  	[sflag:s15] =	ssyncadd.s32 $0xFFFFD800  }
0x1e: {  	[bflag:$0x0] =	sbarrier.arrive $0xFFFF  }
0x1f: {  	[tilespmem:s16], [sflag:$0x5] =	stream.linear.gather [hbm4b:s7+s3], $0x80, $0x38;
	[tilespmem:$0x1E900] =	vst v63  }
0x20: {  	_ =	swait.ge [sflag:s15], $0x80  }
0x21: {  	[sflag:s15] =	ssyncset.done $0x0  }
0x22: {  	[sflag:s15] =	ssyncadd.s32 $0xFFFFFF80  }
0x23: {  	[tilespmem:s17], [sflag:$0x5] =	stream.linear.gather [hbm4b:s9+s3], $0x80, $0x38;
	[tilespmem:$0x1E900] =	vst v63  }
0x24: {  	_ =	swait.ge [sflag:s15], $0x80  }
0x25: {  	[sflag:s15] =	ssyncset.done $0x0  }
0x26: {  	[sflag:s15] =	ssyncadd.s32 $0xFFFFFF80  }
0x27: {  	[tilespmem:s19], [sflag:$0x1] =	stream.indirect.gather [hbm4b:s4+s18], $0x80, s16, s18, $0xb8;
	[tilespmem:$0x1E900] =	vst v63  }
0x28: {  	_ = 	snop  }
0x29: {  	[tilespmem:s20], [sflag:$0x2] =	stream.indirect.gather [hbm4b:s4+s18], $0x80, s17, s18, $0xb8;
	[tilespmem:$0x1E900] =	vst v63  }
0x2a: {  	_ =	swait.ge [sflag:s21], $0x3E80  }
0x2b: {  	[sflag:s21] =	ssyncset.done $0x0  }
0x2c: {  	s29 =	sadd.s32 $0x0, s13;
	[sflag:s21] =	ssyncadd.s32 $0xFFFFC180  }
0x2d: {  	[tilespmem:s16], [sflag:$0x3] =	stream.linear.gather [hbm4b:s29+s3], $0x80, $0x38;
	[tilespmem:$0x1E900] =	vst v63  }
0x2e: {  	s29 =	simm.s32 $0x0  }
0x2f: {  	[spmem:s2] =	stream.indirect.scatter.add.f32 [tilespmem:s19], [sflag:$0x5], $0x80, s29, s18, $0xb8;
	[tilespmem:$0x1E900] =	vst v63  }
0x30: {  	_ =	swait.ge [sflag:s15], $0x3E80  }
0x31: {  	[sflag:s15] =	ssyncset.done $0x0  }
0x32: {  	[sflag:s15] =	ssyncadd.s32 $0xFFFFC180  }
0x33: {  	_ =	swait.ge [sflag:s22], $0x80  }
0x34: {  	[sflag:s22] =	ssyncset.done $0x0  }
0x35: {  	[sflag:s22] =	ssyncadd.s32 $0xFFFFFF80  }
0x36: {  	[tilespmem:s19], [sflag:$0x1] =	stream.indirect.gather [hbm4b:s4+s18], $0x80, s16, s18, $0xb8;
	[tilespmem:$0x1E900] =	vst v63  }
0x37: {  	_ =	swait.ge [sflag:s23], $0x3E80  }
0x38: {  	[sflag:s23] =	ssyncset.done $0x0  }
0x39: {  	s29 =	sadd.s32 $0x0, s12;
	[sflag:s23] =	ssyncadd.s32 $0xFFFFC180  }
0x3a: {  	[tilespmem:s17], [sflag:$0x4] =	stream.linear.gather [hbm4b:s29+s3], $0x80, $0x38;
	[tilespmem:$0x1E900] =	vst v63  }
0x3b: {  	s29 =	simm.s32 $0x80  }
0x3c: {  	[spmem:s2] =	stream.indirect.scatter.add.f32 [tilespmem:s20], [sflag:$0x5], $0x80, s29, s18, $0xb8;
	[tilespmem:$0x1E900] =	vst v63  }
0x3d: {  	_ =	swait.ge [sflag:s15], $0x3E80  }
0x3e: {  	[sflag:s15] =	ssyncset.done $0x0  }
0x3f: {  	[sflag:s15] =	ssyncadd.s32 $0xFFFFC180  }
0x40: {  	_ =	swait.ge [sflag:s24], $0x80  }
0x41: {  	[sflag:s24] =	ssyncset.done $0x0  }
0x42: {  	s30 =	simm.s32 $0x180;
	s29 =	simm.s32 $0x20;
	[sflag:s24] =	ssyncadd.s32 $0xFFFFFF80  }
.LBB2_2:
0x43: {  	[tilespmem:s20], [sflag:$0x2] =	stream.indirect.gather [hbm4b:s4+s18], $0x80, s17, s18, $0xb8;
	[tilespmem:$0x1E900] =	vst v63  }
0x44: {  	s31 =	smov.u32 s29  }
0x45: {  	p0 =	sne.s32 s29, $0x4C0;
	s29 =	sadd.s32 $0x20, s29;
	_ =	swait.ge [sflag:s21], $0x3E80  }
0x46: {  	[sflag:s21] =	ssyncset.done $0x0  }
0x47: {  	s1 =	sadd.s32 s31, s13;
	[sflag:s21] =	ssyncadd.s32 $0xFFFFC180  }
0x48: {  	[tilespmem:s16], [sflag:$0x3] =	stream.linear.gather [hbm4b:s1+s3], $0x80, $0x38;
	[tilespmem:$0x1E900] =	vst v63  }
0x49: {  	s1 =	sadd.s32 $0xFFFFFF80, s30  }
0x4a: {  	[spmem:s2] =	stream.indirect.scatter.add.f32 [tilespmem:s19], [sflag:$0x5], $0x80, s1, s18, $0xb8;
	[tilespmem:$0x1E900] =	vst v63  }
0x4b: {  	_ =	swait.ge [sflag:s15], $0x3E80  }
0x4c: {  	[sflag:s15] =	ssyncset.done $0x0  }
0x4d: {  	[sflag:s15] =	ssyncadd.s32 $0xFFFFC180  }
0x4e: {  	_ =	swait.ge [sflag:s22], $0x80  }
0x4f: {  	[sflag:s22] =	ssyncset.done $0x0  }
0x50: {  	[sflag:s22] =	ssyncadd.s32 $0xFFFFFF80  }
0x51: {  	[tilespmem:s19], [sflag:$0x1] =	stream.indirect.gather [hbm4b:s4+s18], $0x80, s16, s18, $0xb8;
	[tilespmem:$0x1E900] =	vst v63  }
0x52: {  	_ =	swait.ge [sflag:s23], $0x3E80  }
0x53: {  	[sflag:s23] =	ssyncset.done $0x0  }
0x54: {  	s1 =	sadd.s32 s31, s12;
	[sflag:s23] =	ssyncadd.s32 $0xFFFFC180  }
0x55: {  	[tilespmem:s17], [sflag:$0x4] =	stream.linear.gather [hbm4b:s1+s3], $0x80, $0x38;
	[tilespmem:$0x1E900] =	vst v63  }
0x56: {  	_ = 	snop  }
0x57: {  	[spmem:s2] =	stream.indirect.scatter.add.f32 [tilespmem:s20], [sflag:$0x5], $0x80, s30, s18, $0xb8;
	[tilespmem:$0x1E900] =	vst v63  }
0x58: {  	_ =	swait.ge [sflag:s15], $0x3E80  }
.Ltmp0:
0x59: {  	[sflag:s15] =	ssyncset.done $0x0;
	(pc) =	sbr.rel @p0 .LBB2_2-.Ltmp0, $4  }
0x5a: {  	[sflag:s15] =	ssyncadd.s32 $0xFFFFC180  }
0x5b: {  	_ =	swait.ge [sflag:s24], $0x80  }
0x5c: {  	[sflag:s24] =	ssyncset.done $0x0  }
0x5d: {  	s30 =	sadd.s32 $0x100, s30;
	[sflag:s24] =	ssyncadd.s32 $0xFFFFFF80  }
0x5e: {  	[tilespmem:s20], [sflag:$0x2] =	stream.indirect.gather [hbm4b:s4+s18], $0x80, s17, s18, $0xb8;
	[tilespmem:$0x1E900] =	vst v63  }
0x5f: {  	_ =	swait.ge [sflag:s21], $0x3E80  }
0x60: {  	[sflag:s21] =	ssyncset.done $0x0  }
0x61: {  	[sflag:s21] =	ssyncadd.s32 $0xFFFFC180  }
0x62: {  	[spmem:s2] =	stream.indirect.scatter.add.f32 [tilespmem:s19], [sflag:$0x5], $0x80, s25, s18, $0xb8;
	[tilespmem:$0x1E900] =	vst v63  }
0x63: {  	_ =	swait.ge [sflag:s15], $0x3E80  }
0x64: {  	[sflag:s15] =	ssyncset.done $0x0  }
0x65: {  	[sflag:s15] =	ssyncadd.s32 $0xFFFFC180  }
0x66: {  	_ =	swait.ge [sflag:s23], $0x3E80  }
0x67: {  	[sflag:s23] =	ssyncset.done $0x0  }
0x68: {  	[sflag:s23] =	ssyncadd.s32 $0xFFFFC180  }
0x69: {  	[spmem:s2] =	stream.indirect.scatter.add.f32 [tilespmem:s20], [sflag:$0x5], $0x80, s26, s18, $0xb8;
	[tilespmem:$0x1E900] =	vst v63  }
0x6a: {  	_ =	swait.ge [sflag:s15], $0x3E80  }
0x6b: {  	s28 =	sadd.s32 $0x1, s28;
	[sflag:s15] =	ssyncset.done $0x0  }
0x6c: {  	p0 =	sne.s32 s28, s11;
	[sflag:s15] =	ssyncadd.s32 $0xFFFFC180  }
.Ltmp1:
0x6d: {  	[bflag:$0x0] =	sbarrier.arrive $0xFFFF;
	(pc) =	sbr.rel @p0 .LBB2_1-.Ltmp1, $4  }
0x6e: {  	[hbm:s10], [sflag:s6] =	dma.local [spmem:s14], $0x2800  }
0x6f: {  	_ =	swait.ge [sflag:s15], $0x2800  }
0x70: {  	[sflag:s15] =	ssyncset.done $0x0  }
0x71: {  	[sflag:s15] =	ssyncadd.s32 $0xFFFFD800  }
0x72: {  	_ =	sfence.sel $0x180000  }
0x73: {  	[bflag:$0x0] =	sbarrier.arrive $0xFFFF  }
0x74: {  	_ =	strace $0x9000004A  }
0x75: {  	[bflag:$0x2] =	sbarrier.arrive $0xFFFF  }
0x76: {  	p0 =	sne.s32 s0, $0x0;
	s0 =	rddreg [dreg:$0x3]  }
0x77: {  	s0 =	sadd.s32 @!p0 $0x100000, s0  }
0x78: {  	[sflag:s0] =	ssyncadd.tile.s32 @!p0 $0x1;
	_ =	shalt  }
.Lfunc_end2:
_tile_overlayer_lowered:
.L_overlay_start_2:
0x79: {  	(tag) =	ssettag $0x2  }
0x7a: {  	s0 =	rddreg [dreg:$0x0];
	s2 =	stileid.u32  }
0x7b: {  	s1 =	rddreg [dreg:$0x1];
	p0 =	sne.s32 s2, $0x0  }
0x7c: {  	s3 =	rddreg [dreg:$0x2];
	[bflag:$0x3] =	sbarrier.arrive $0xFFFF;
	s2 =	simm.s32 @!p0 $0x1C05  }
0x7d: {  	[timem:s3], [sflag:s2] =	dma.local @!p0 [hbm:s0], s1  }
0x7e: {  	s0 =	simm.s32 @!p0 $0x5  }
0x7f: {  	_ =	swait.ge @!p0 [sflag:s0], s1  }
0x80: {  	s1 =	ssub.s32 @!p0 $0x0, s1;
	[sflag:s0] =	ssyncset.done @!p0 $0x0  }
0x81: {  	[sflag:s0] =	ssyncadd.s32 @!p0 s1  }
0x82: {  	[bflag:$0x3] =	sbarrier.arrive $0xFFFF  }
0x83: {  	_ =	shalt  }

// kernel: kernel.14.cloned.1.call-start
scs
__scs_entry_jumppad:
0x0: {  	(pc) =	sbr.rel $0x88, $3  }
0x1: {  	(tag) =	ssettag $0x0;
	lr =	simm.s32 $0x1  }
0x2: {  	[smem:$0x3F9B] =	sst lr;
	_ =	strace $0xD0000000  }
0x3: {  	_ = 	snop  }
0x4: {  	_ = 	snop  }
0x5: {  	_ = 	snop  }
0x6: {  	_ = 	snop  }
0x7: {  	_ = 	snop  }
__scs_overlays_trampoline_lowered:
0x8: {  	[smem:$0x3FAA] =	sst s0  }
0x9: {  	[smem:$0x3FAB] =	sst s1  }
0xa: {  	[smem:$0x3FAC] =	sst s2  }
0xb: {  	[smem:$0x3FAD] =	sst s3  }
0xc: {  	[smem:$0x3FAE] =	sst s4  }
0xd: {  	[smem:$0x3FAF] =	sst s5  }
0xe: {  	[smem:$0x3FB0] =	sst s6  }
0xf: {  	[smem:$0x3FB1] =	sst s7  }
0x10: {  	[smem:$0x3FB2] =	sst s8  }
0x11: {  	[smem:$0x3FB3] =	sst s9;
	s0 =	simm.s32 @!p0 $0x0  }
0x12: {  	s1 =	sld [smem:$0x3F99];
	s0 =	simm.s32 @p0 $0x1  }
0x13: {  	[smem:$0x3FB4] =	sst s0;
	s0 =	simm.s32 @!p1 $0x0  }
0x14: {  	s2 =	sld [smem:$0x3F98];
	s0 =	simm.s32 @p1 $0x1  }
0x15: {  	[smem:$0x3FB5] =	sst s0;
	s0 =	simm.s32 @!p2 $0x0  }
0x16: {  	s3 =	sld [smem:$0x3FDB];
	s0 =	simm.s32 @p2 $0x1  }
0x17: {  	s4 =	simm.s32 $0x1BF5;
	[smem:$0x3FB7] =	sst s0  }
0x18: {  	s0 =	sld [smem:$0x3F9A];
	_ =	swait.ge [sflag:s4], $0x0  }
0x19: {  	s7 =	sld [smem:$0x3F9B]  }
0x1a: {  	s8 =	sadd.s32 $0xFFFFE003, lr  }
0x1b: {  	s9 =	sadd.s32 $0xFFFFFEF7, lr;
	s5 =	simm.s32 $0xFFFFFFFF;
	p2 =	slt.u32 s8, $0xFFFFF086  }
0x1c: {  	p1 =	slt.u32 s9, $0xF7A;
	s5 =	simm.s32 @!p2 $0x0  }
0x1d: {  	s5 =	simm.s32 @p1 $0x1;
	p0 =	seq.s32 s7, s2  }
0x1e: {  	s7 =	smul.u32 @!p0 $0xF7A, s2;
	p2 =	seq.s32 @!p0 s5, $0x0  }
0x1f: {  	s9 =	smul.u32 $0xF7A, s1;
	s8 =	simm.s32 @!p0 $0x1BF5;
	p2 =	por !p2, p0  }
0x20: {  	[sflag:s8] =	ssyncset.s32 @!p0 $0xFFFFF086;
	s6 =	sadd.s32 @!p0 s3, s7;
	s7 =	simm.s32 @!p0 $0x108  }
0x21: {  	s3 =	sadd.s32 s3, s9;
	s6 =	sadd.s32 @!p0 $0x88, s6;
	s7 =	simm.s32 @p2 $0x1082  }
0x22: {  	[simem:s7], [sflag:s8] =	dma.local @!p0 [hbm:s6], $0xF7A  }
0x23: {  	s9 =	sor.u32 $0xD0000000, s2;
	s6 =	simm.s32 $0x108;
	_ =	swait.ge @!p0 [sflag:s8], $0x0  }
0x24: {  	s3 =	sadd.s32 $0x88, s3;
	s6 =	simm.s32 @!p1 $0x1082;
	[sflag:s4] =	ssyncset.s32 $0xFFFFF086  }
0x25: {  	[simem:s6], [sflag:s4] =	dma.local [hbm:s3], $0xF7A  }
0x26: {  	[smem:$0x3F9B] =	sst s1;
	(tag) =	ssettag s2;
	_ =	strace s9  }
0x27: {  	s1 =	sld [smem:$0x3FAB]  }
0x28: {  	s2 =	sld [smem:$0x3FAC]  }
0x29: {  	s4 =	sld [smem:$0x3FAE]  }
0x2a: {  	p0 =	seq.s32 s5, $0x0;
	s5 =	sld [smem:$0x3FAF]  }
0x2b: {  	s6 =	sld [smem:$0x3FB0]  }
0x2c: {  	s7 =	sld [smem:$0x3FB1]  }
0x2d: {  	s3 =	simm.s32 $0x108;
	s8 =	sld [smem:$0x3FB2]  }
0x2e: {  	s3 =	simm.s32 @!p0 $0x1082;
	s9 =	sld [smem:$0x3FB3]  }
0x2f: {  	lr =	sadd.s32 s0, s3;
	s0 =	sld [smem:$0x3FAA]  }
0x30: {  	s3 =	sld [smem:$0x3FAD]  }
0x31: {  	[smem:$0x3FB6] =	sst s10  }
0x32: {  	s10 =	sld [smem:$0x3FB4];
	_ =	sdelay $0x3  }
0x33: {  	p0 =	seq.s32 s10, $0x1;
	s10 =	sld [smem:$0x3FB6];
	_ =	sdelay $0x3  }
0x34: {  	[smem:$0x3FB6] =	sst s10  }
0x35: {  	s10 =	sld [smem:$0x3FB5];
	_ =	sdelay $0x3  }
0x36: {  	p1 =	seq.s32 s10, $0x1;
	s10 =	sld [smem:$0x3FB6];
	_ =	sdelay $0x3  }
0x37: {  	[smem:$0x3FB6] =	sst s10  }
0x38: {  	s10 =	sld [smem:$0x3FB7]  }
0x39: {  	_ = 	snop;
	(pc) =	sbr.ind lr, $3  }
0x3a: {  	_ = 	snop  }
0x3b: {  	_ = 	snop  }
0x3c: {  	p2 =	seq.s32 s10, $0x1;
	s10 =	sld [smem:$0x3FB6]  }
0x3d: {  	_ =	shalt  }
0x3e: {  	_ =	shalt  }
0x3f: {  	_ =	shalt  }
0x40: {  	_ =	shalt  }
0x41: {  	_ =	shalt  }
0x42: {  	_ =	shalt  }
0x43: {  	_ =	shalt  }
0x44: {  	_ =	shalt  }
0x45: {  	_ =	shalt  }
0x46: {  	_ =	shalt  }
0x47: {  	_ =	shalt  }
0x48: {  	_ =	shalt  }
0x49: {  	_ =	shalt  }
0x4a: {  	_ =	shalt  }
0x4b: {  	_ =	shalt  }
0x4c: {  	_ =	shalt  }
0x4d: {  	_ =	shalt  }
0x4e: {  	_ =	shalt  }
0x4f: {  	_ =	shalt  }
0x50: {  	_ =	shalt  }
0x51: {  	_ =	shalt  }
0x52: {  	_ =	shalt  }
0x53: {  	_ =	shalt  }
0x54: {  	_ =	shalt  }
0x55: {  	_ =	shalt  }
0x56: {  	_ =	shalt  }
0x57: {  	_ =	shalt  }
0x58: {  	_ =	shalt  }
0x59: {  	_ =	shalt  }
0x5a: {  	_ =	shalt  }
0x5b: {  	_ =	shalt  }
0x5c: {  	_ =	shalt  }
0x5d: {  	_ =	shalt  }
0x5e: {  	_ =	shalt  }
0x5f: {  	_ =	shalt  }
0x60: {  	_ =	shalt  }
0x61: {  	_ =	shalt  }
0x62: {  	_ =	shalt  }
0x63: {  	_ =	shalt  }
0x64: {  	_ =	shalt  }
0x65: {  	_ =	shalt  }
0x66: {  	_ =	shalt  }
0x67: {  	_ =	shalt  }
0x68: {  	_ =	shalt  }
0x69: {  	_ =	shalt  }
0x6a: {  	_ =	shalt  }
0x6b: {  	_ =	shalt  }
0x6c: {  	_ =	shalt  }
0x6d: {  	_ =	shalt  }
0x6e: {  	_ =	shalt  }
0x6f: {  	_ =	shalt  }
0x70: {  	_ =	shalt  }
0x71: {  	_ =	shalt  }
0x72: {  	_ =	shalt  }
0x73: {  	_ =	shalt  }
0x74: {  	_ =	shalt  }
0x75: {  	_ =	shalt  }
0x76: {  	_ =	shalt  }
0x77: {  	_ =	shalt  }
0x78: {  	_ =	shalt  }
0x79: {  	_ =	shalt  }
0x7a: {  	_ =	shalt  }
0x7b: {  	_ =	shalt  }
0x7c: {  	_ =	shalt  }
0x7d: {  	_ =	shalt  }
0x7e: {  	_ =	shalt  }
0x7f: {  	_ =	shalt  }
0x80: {  	_ =	shalt  }
0x81: {  	_ =	shalt  }
0x82: {  	_ =	shalt  }
0x83: {  	_ =	shalt  }
0x84: {  	_ =	shalt  }
0x85: {  	_ =	shalt  }
0x86: {  	_ =	shalt  }
0x87: {  	_ =	shalt  }
.Lfunc_end0:
.L_simem_size_0:
called_computation.2_lowered:
.L_overlay_start_0:
0x88: {  	s2 =	sld [smem:$0x3FD9]  }
0x89: {  	s3 =	sld [smem:$0x3FFE];
	_ =	sdelay $0x1  }
0x8a: {  	s1 =	srdreg.scid  }
0x8b: {  	s0 =	sand.u32 $0x1, s1  }
0x8c: {  	s17 =	sshll.u32 s0, $0xA;
	s2 =	sadd.s32 s3, s2  }
0x8d: {  	s2 =	sadd.s32 s2, s17  }
0x8e: {  	[smem:$0x3FC2] =	sst s2  }
0x8f: {  	_ = 	snop  }
0x90: {  	s2 =	sld [smem:$0x3FD0];
	(tm) =	ssettm $0x1  }
0x91: {  	s18 =	sld [smem:$0x3FFB];
	_ =	sdelay $0x3  }
0x92: {  	_ =	strace s18  }
0x93: {  	s3 =	sld [smem:$0x3FFC];
	_ =	sdelay $0x3  }
0x94: {  	_ =	strace s3  }
0x95: {  	s3 =	sld [smem:$0x3FFD];
	_ =	sdelay $0x3  }
0x96: {  	_ =	strace s3  }
0x97: {  	_ =	strace $0x8FFFFFFF  }
0x98: {  	s19 =	sld [smem:$0x3FDB];
	_ =	sdelay $0x1  }
0x99: {  	s4 =	simm.s32 $_scs_section_size  }
0x9a: {  	s5 =	simm.s32 $_size__tile_overlayer_lowered;
	s6 =	simm.s32 $_tile_overlayer_lowered  }
0x9b: {  	s22 =	simm.s32 $0x1BFF;
	s21 =	sshll.u32 s6, $0x1;
	s3 =	sadd.s32 s4, s19  }
0x9c: {  	s7 =	simm.s32 $0x0;
	s20 =	sshll.u32 s5, $0x1;
	s5 =	sadd.s32 s21, s3  }
0x9d: {  	[timem:s7], [sflag:s22] =	dma.local [hbm:s5], s20  }
0x9e: {  	_ =	swait.ge [sflag:s22], s20  }
0x9f: {  	s4 =	ssub.s32 $0x0, s20;
	[sflag:s22] =	ssyncset.done $0x0  }
0xa0: {  	[sflag:s22] =	ssyncadd.s32 s4;
	_ =	sdelay $0x1  }
0xa1: {  	s23 =	simm.s32 $0x1B8B  }
0xa2: {  	_ =	swait.ge [sflag:s23], $0x1  }
0xa3: {  	[sflag:s23] =	ssyncset.done $0x0  }
0xa4: {  	s25 =	simm.s32 $0x1B8E;
	s24 =	sld [smem:$0x3FFE];
	[sflag:s23] =	ssyncadd.s32 $0xFFFFFFFF  }
0xa5: {  	s26 =	simm.s32 $execute0_lowered;
	[smem:$0x3FD2] =	sst s25  }
0xa6: {  	s5 =	sshll.u32 s26, $0x1;
	_ =	strace $0x8000004C;
	[dreg:$0x1] =	wrdreg $0xFFFFFFFF  }
0xa7: {  	s28 =	simm.s32 $_size_execute0_lowered;
	s3 =	sadd.s32 s3, s5;
	[dreg:$0x0] =	wrdreg $0x0  }
0xa8: {  	s5 =	sshll.u32 s28, $0x1;
	[dreg:$0x2] =	wrdreg s3  }
0xa9: {  	[dreg:$0x3] =	wrdreg s5  }
0xaa: {  	[dreg:$0x4] =	wrdreg $0xC0  }
0xab: {  	_ =	task [dreg:s7], $0x5FFFF  }
0xac: {  	[dreg:$0x1] =	wrdreg $0xFFFFFFFF  }
0xad: {  	[dreg:$0x0] =	wrdreg $0x60  }
0xae: {  	[dreg:$0x2] =	wrdreg s24  }
0xaf: {  	[dreg:$0x3] =	wrdreg s2  }
0xb0: {  	[dreg:$0x4] =	wrdreg $0xA9000  }
0xb1: {  	[dreg:$0x5] =	wrdreg $0x9  }
0xb2: {  	_ =	task.clear_ibuf [dreg:s7], $0x6FFFF;
	_ =	strace $0x9000004C  }
0xb3: {  	s29 =	simm.s32 $0x9;
	_ =	strace $0x8000004E  }
0xb4: {  	_ =	swait.ge [sflag:s29], $0x1  }
0xb5: {  	[sflag:s29] =	ssyncadd.s32 $0xFFFFFFFF  }
0xb6: {  	_ =	strace $0x9000004E  }
0xb7: {  	_ =	sfence  }
0xb8: {  	s30 =	sld [smem:$0x0];
	_ =	sdelay $0x2  }
0xb9: {  	s31 =	sshll.u32 s1, $0xD;
	s1 =	sshrl.u32 s1, $0x2  }
0xba: {  	s3 =	sand.u32 $0x4000, s31;
	s1 =	sadd.s32 s1, s30  }
0xbb: {  	s0 =	sor.u32 s3, s0;
	s1 =	sshll.u32 s1, $0x11  }
0xbc: {  	s0 =	sor.u32 s1, s0  }
0xbd: {  	s0 =	sadd.s32 $0x8F2B, s0  }
0xbe: {  	[sflag:s0] =	ssyncadd.remote.s32 $0x1  }
0xbf: {  	_ =	sfence.sel $0xFFFF  }
0xc0: {  	[dreg:$0x0] =	wrdreg $0xFFFFFFFF;
	(pc) =	sbr.abs _section_cstart, $3  }
0xc1: {  	[dreg:$0x1] =	wrdreg $0xFFFFFFFF  }
0xc2: {  	_ =	task.clear_ibuf [dreg:s7], $0x2FFFF;
	_ =	strace $0x9FFFFFFF  }
0xc3: {  	(tm) =	ssettm $0x7FFFFFFF  }
tec
execute0_lowered:
.L_overlay_start_1:
0x0: {  	(tag) =	ssettag $0x1  }
0x1: {  	s7 =	rddreg [dreg:$0x0]  }
0x2: {  	s13 =	rddreg [dreg:$0x1]  }
0x3: {  	s0 =	srdreg.scid;
	s2 =	rddreg [dreg:$0x2]  }
0x4: {  	s3 =	simm.s32 $0x0;
	s17 =	simm.s32 $0x2880;
	s6 =	sand.u32 $0x1, s0  }
0x5: {  	s18 =	simm.s32 $0x7D;
	s0 =	stileid.u32;
	s9 =	smul.u32 $0x140000, s6  }
0x6: {  	s19 =	simm.s32 $0x2900;
	s28 =	simm.s32 $0x0;
	s10 =	smul.u32 $0x14000, s0  }
0x7: {  	[smem:$0x7FF] =	sst s3;
	s4 =	sadd.s32 $0x20800, s7;
	s20 =	smul.u32 $0x50000, s0  }
0x8: {  	s1 =	sshll.u32 s6, $0x4;
	_ =	strace $0x8000004D;
	s22 =	smul.u32 $0x28000, s6  }
0x9: {  	s12 =	ssub.s32 $0x2, s6;
	s24 =	smul.u32 $0x2800, s0;
	s25 =	sshll.u32 s0, $0x6  }
0xa: {  	s8 =	sor.u32 s0, s1;
	s21 =	sshrl.u32 s12, $0x1;
	s6 =	sor.u32 $0x1C05, s25  }
0xb: {  	s25 =	simm.s32 $0x2700;
	s5 =	smul.u32 $0x500, s8;
	s9 =	sadd.s32 s10, s9  }
0xc: {  	s8 =	smul.u32 $0x2800, s8;
	s12 =	ssub.s32 s12, s21;
	s23 =	sshrl.u32 s20, $0x2  }
0xd: {  	s16 =	sadd.s32 s24, s22;
	s20 =	simm.s32 $0x6900;
	s21 =	simm.s32 $0x1  }
0xe: {  	s22 =	simm.s32 $0x3;
	s24 =	simm.s32 $0x4;
	s9 =	sshrl.u32 s9, $0x3  }
0xf: {  	s15 =	sadd.s32 s23, s2;
	s29 =	sor.u32 $0x180, s16;
	s16 =	sor.u32 $0x100, s16  }
0x10: {  	s23 =	simm.s32 $0x2;
	s11 =	sadd.s32 s5, s7;
	s5 =	sadd.s32 $0x2A00, s7  }
0x11: {  	s14 =	sadd.s32 s9, s7;
	s26 =	sshrl.u32 s8, $0x3;
	s30 =	sshrl.u32 s29, $0x3  }
0x12: {  	s31 =	sshrl.u32 s16, $0x3;
	s16 =	simm.s32 $0x2800;
	s7 =	sadd.s32 s13, s26  }
0x13: {  	s8 =	sadd.s32 $0x16800, s11;
	s10 =	sadd.s32 $0x48800, s14;
	s11 =	smax.u32 s12, $0x1  }
0x14: {  	s12 =	sadd.s32 s30, s13;
	s13 =	sadd.s32 s31, s13;
	s14 =	sshrl.u32 s15, $0x3  }
0x15: {  	s15 =	simm.s32 $0x5;
	s26 =	simm.s32 $0x2780;
	s9 =	sadd.s32 $0x10, s7  }
.LBB2_1:
0x16: {  	[spmem:s14], [sflag:s6] =	dma.local [hbm:s5], $0x2800  }
0x17: {  	_ =	swait.ge [sflag:s15], $0x2800  }
0x18: {  	[sflag:s15] =	ssyncset.done $0x0  }
0x19: {  	[sflag:s15] =	ssyncadd.s32 $0xFFFFD800  }
0x1a: {  	[tilespmem:s3], [sflag:$0x5] =	stream.linear.gather [hbm4b:s8+s3], $0x2800, $0x38;
	[tilespmem:$0x1E900] =	vst v63  }
0x1b: {  	_ =	swait.ge [sflag:s15], $0x2800  }
0x1c: {  	[sflag:s15] =	ssyncset.done $0x0  }
0x1d: {  	[sflag:s15] =	ssyncadd.s32 $0xFFFFD800  }
0x1e: {  	[bflag:$0x0] =	sbarrier.arrive $0xFFFF  }
0x1f: {  	[tilespmem:s16], [sflag:$0x5] =	stream.linear.gather [hbm4b:s7+s3], $0x80, $0x38;
	[tilespmem:$0x1E900] =	vst v63  }
0x20: {  	_ =	swait.ge [sflag:s15], $0x80  }
0x21: {  	[sflag:s15] =	ssyncset.done $0x0  }
0x22: {  	[sflag:s15] =	ssyncadd.s32 $0xFFFFFF80  }
0x23: {  	[tilespmem:s17], [sflag:$0x5] =	stream.linear.gather [hbm4b:s9+s3], $0x80, $0x38;
	[tilespmem:$0x1E900] =	vst v63  }
0x24: {  	_ =	swait.ge [sflag:s15], $0x80  }
0x25: {  	[sflag:s15] =	ssyncset.done $0x0  }
0x26: {  	[sflag:s15] =	ssyncadd.s32 $0xFFFFFF80  }
0x27: {  	[tilespmem:s19], [sflag:$0x1] =	stream.indirect.gather [hbm4b:s4+s18], $0x80, s16, s18, $0xb8;
	[tilespmem:$0x1E900] =	vst v63  }
0x28: {  	_ = 	snop  }
0x29: {  	[tilespmem:s20], [sflag:$0x2] =	stream.indirect.gather [hbm4b:s4+s18], $0x80, s17, s18, $0xb8;
	[tilespmem:$0x1E900] =	vst v63  }
0x2a: {  	_ =	swait.ge [sflag:s21], $0x3E80  }
0x2b: {  	[sflag:s21] =	ssyncset.done $0x0  }
0x2c: {  	s29 =	sadd.s32 $0x0, s13;
	[sflag:s21] =	ssyncadd.s32 $0xFFFFC180  }
0x2d: {  	[tilespmem:s16], [sflag:$0x3] =	stream.linear.gather [hbm4b:s29+s3], $0x80, $0x38;
	[tilespmem:$0x1E900] =	vst v63  }
0x2e: {  	s29 =	simm.s32 $0x0  }
0x2f: {  	[spmem:s2] =	stream.indirect.scatter.add.f32 [tilespmem:s19], [sflag:$0x5], $0x80, s29, s18, $0xb8;
	[tilespmem:$0x1E900] =	vst v63  }
0x30: {  	_ =	swait.ge [sflag:s15], $0x3E80  }
0x31: {  	[sflag:s15] =	ssyncset.done $0x0  }
0x32: {  	[sflag:s15] =	ssyncadd.s32 $0xFFFFC180  }
0x33: {  	_ =	swait.ge [sflag:s22], $0x80  }
0x34: {  	[sflag:s22] =	ssyncset.done $0x0  }
0x35: {  	[sflag:s22] =	ssyncadd.s32 $0xFFFFFF80  }
0x36: {  	[tilespmem:s19], [sflag:$0x1] =	stream.indirect.gather [hbm4b:s4+s18], $0x80, s16, s18, $0xb8;
	[tilespmem:$0x1E900] =	vst v63  }
0x37: {  	_ =	swait.ge [sflag:s23], $0x3E80  }
0x38: {  	[sflag:s23] =	ssyncset.done $0x0  }
0x39: {  	s29 =	sadd.s32 $0x0, s12;
	[sflag:s23] =	ssyncadd.s32 $0xFFFFC180  }
0x3a: {  	[tilespmem:s17], [sflag:$0x4] =	stream.linear.gather [hbm4b:s29+s3], $0x80, $0x38;
	[tilespmem:$0x1E900] =	vst v63  }
0x3b: {  	s29 =	simm.s32 $0x80  }
0x3c: {  	[spmem:s2] =	stream.indirect.scatter.add.f32 [tilespmem:s20], [sflag:$0x5], $0x80, s29, s18, $0xb8;
	[tilespmem:$0x1E900] =	vst v63  }
0x3d: {  	_ =	swait.ge [sflag:s15], $0x3E80  }
0x3e: {  	[sflag:s15] =	ssyncset.done $0x0  }
0x3f: {  	[sflag:s15] =	ssyncadd.s32 $0xFFFFC180  }
0x40: {  	_ =	swait.ge [sflag:s24], $0x80  }
0x41: {  	[sflag:s24] =	ssyncset.done $0x0  }
0x42: {  	s30 =	simm.s32 $0x180;
	s29 =	simm.s32 $0x20;
	[sflag:s24] =	ssyncadd.s32 $0xFFFFFF80  }
.LBB2_2:
0x43: {  	[tilespmem:s20], [sflag:$0x2] =	stream.indirect.gather [hbm4b:s4+s18], $0x80, s17, s18, $0xb8;
	[tilespmem:$0x1E900] =	vst v63  }
0x44: {  	s31 =	smov.u32 s29  }
0x45: {  	p0 =	sne.s32 s29, $0x4C0;
	s29 =	sadd.s32 $0x20, s29;
	_ =	swait.ge [sflag:s21], $0x3E80  }
0x46: {  	[sflag:s21] =	ssyncset.done $0x0  }
0x47: {  	s1 =	sadd.s32 s31, s13;
	[sflag:s21] =	ssyncadd.s32 $0xFFFFC180  }
0x48: {  	[tilespmem:s16], [sflag:$0x3] =	stream.linear.gather [hbm4b:s1+s3], $0x80, $0x38;
	[tilespmem:$0x1E900] =	vst v63  }
0x49: {  	s1 =	sadd.s32 $0xFFFFFF80, s30  }
0x4a: {  	[spmem:s2] =	stream.indirect.scatter.add.f32 [tilespmem:s19], [sflag:$0x5], $0x80, s1, s18, $0xb8;
	[tilespmem:$0x1E900] =	vst v63  }
0x4b: {  	_ =	swait.ge [sflag:s15], $0x3E80  }
0x4c: {  	[sflag:s15] =	ssyncset.done $0x0  }
0x4d: {  	[sflag:s15] =	ssyncadd.s32 $0xFFFFC180  }
0x4e: {  	_ =	swait.ge [sflag:s22], $0x80  }
0x4f: {  	[sflag:s22] =	ssyncset.done $0x0  }
0x50: {  	[sflag:s22] =	ssyncadd.s32 $0xFFFFFF80  }
0x51: {  	[tilespmem:s19], [sflag:$0x1] =	stream.indirect.gather [hbm4b:s4+s18], $0x80, s16, s18, $0xb8;
	[tilespmem:$0x1E900] =	vst v63  }
0x52: {  	_ =	swait.ge [sflag:s23], $0x3E80  }
0x53: {  	[sflag:s23] =	ssyncset.done $0x0  }
0x54: {  	s1 =	sadd.s32 s31, s12;
	[sflag:s23] =	ssyncadd.s32 $0xFFFFC180  }
0x55: {  	[tilespmem:s17], [sflag:$0x4] =	stream.linear.gather [hbm4b:s1+s3], $0x80, $0x38;
	[tilespmem:$0x1E900] =	vst v63  }
0x56: {  	_ = 	snop  }
0x57: {  	[spmem:s2] =	stream.indirect.scatter.add.f32 [tilespmem:s20], [sflag:$0x5], $0x80, s30, s18, $0xb8;
	[tilespmem:$0x1E900] =	vst v63  }
0x58: {  	_ =	swait.ge [sflag:s15], $0x3E80  }
.Ltmp0:
0x59: {  	[sflag:s15] =	ssyncset.done $0x0;
	(pc) =	sbr.rel @p0 .LBB2_2-.Ltmp0, $4  }
0x5a: {  	[sflag:s15] =	ssyncadd.s32 $0xFFFFC180  }
0x5b: {  	_ =	swait.ge [sflag:s24], $0x80  }
0x5c: {  	[sflag:s24] =	ssyncset.done $0x0  }
0x5d: {  	s30 =	sadd.s32 $0x100, s30;
	[sflag:s24] =	ssyncadd.s32 $0xFFFFFF80  }
0x5e: {  	[tilespmem:s20], [sflag:$0x2] =	stream.indirect.gather [hbm4b:s4+s18], $0x80, s17, s18, $0xb8;
	[tilespmem:$0x1E900] =	vst v63  }
0x5f: {  	_ =	swait.ge [sflag:s21], $0x3E80  }
0x60: {  	[sflag:s21] =	ssyncset.done $0x0  }
0x61: {  	[sflag:s21] =	ssyncadd.s32 $0xFFFFC180  }
0x62: {  	[spmem:s2] =	stream.indirect.scatter.add.f32 [tilespmem:s19], [sflag:$0x5], $0x80, s25, s18, $0xb8;
	[tilespmem:$0x1E900] =	vst v63  }
0x63: {  	_ =	swait.ge [sflag:s15], $0x3E80  }
0x64: {  	[sflag:s15] =	ssyncset.done $0x0  }
0x65: {  	[sflag:s15] =	ssyncadd.s32 $0xFFFFC180  }
0x66: {  	_ =	swait.ge [sflag:s23], $0x3E80  }
0x67: {  	[sflag:s23] =	ssyncset.done $0x0  }
0x68: {  	[sflag:s23] =	ssyncadd.s32 $0xFFFFC180  }
0x69: {  	[spmem:s2] =	stream.indirect.scatter.add.f32 [tilespmem:s20], [sflag:$0x5], $0x80, s26, s18, $0xb8;
	[tilespmem:$0x1E900] =	vst v63  }
0x6a: {  	_ =	swait.ge [sflag:s15], $0x3E80  }
0x6b: {  	s28 =	sadd.s32 $0x1, s28;
	[sflag:s15] =	ssyncset.done $0x0  }
0x6c: {  	p0 =	sne.s32 s28, s11;
	[sflag:s15] =	ssyncadd.s32 $0xFFFFC180  }
.Ltmp1:
0x6d: {  	[bflag:$0x0] =	sbarrier.arrive $0xFFFF;
	(pc) =	sbr.rel @p0 .LBB2_1-.Ltmp1, $4  }
0x6e: {  	[hbm:s10], [sflag:s6] =	dma.local [spmem:s14], $0x2800  }
0x6f: {  	_ =	swait.ge [sflag:s15], $0x2800  }
0x70: {  	[sflag:s15] =	ssyncset.done $0x0  }
0x71: {  	[sflag:s15] =	ssyncadd.s32 $0xFFFFD800  }
0x72: {  	_ =	sfence.sel $0x180000  }
0x73: {  	[bflag:$0x0] =	sbarrier.arrive $0xFFFF  }
0x74: {  	_ =	strace $0x9000004D  }
0x75: {  	[bflag:$0x2] =	sbarrier.arrive $0xFFFF  }
0x76: {  	p0 =	sne.s32 s0, $0x0;
	s0 =	rddreg [dreg:$0x3]  }
0x77: {  	s0 =	sadd.s32 @!p0 $0x100000, s0  }
0x78: {  	[sflag:s0] =	ssyncadd.tile.s32 @!p0 $0x1;
	_ =	shalt  }
.Lfunc_end2:
_tile_overlayer_lowered:
.L_overlay_start_2:
0x79: {  	(tag) =	ssettag $0x2  }
0x7a: {  	s0 =	rddreg [dreg:$0x0];
	s2 =	stileid.u32  }
0x7b: {  	s1 =	rddreg [dreg:$0x1];
	p0 =	sne.s32 s2, $0x0  }
0x7c: {  	s3 =	rddreg [dreg:$0x2];
	[bflag:$0x3] =	sbarrier.arrive $0xFFFF;
	s2 =	simm.s32 @!p0 $0x1C05  }
0x7d: {  	[timem:s3], [sflag:s2] =	dma.local @!p0 [hbm:s0], s1  }
0x7e: {  	s0 =	simm.s32 @!p0 $0x5  }
0x7f: {  	_ =	swait.ge @!p0 [sflag:s0], s1  }
0x80: {  	s1 =	ssub.s32 @!p0 $0x0, s1;
	[sflag:s0] =	ssyncset.done @!p0 $0x0  }
0x81: {  	[sflag:s0] =	ssyncadd.s32 @!p0 s1  }
0x82: {  	[bflag:$0x3] =	sbarrier.arrive $0xFFFF  }
0x83: {  	_ =	shalt  }

// kernel: kernel.8.cloned.1.call-start
scs
__scs_entry_jumppad:
0x0: {  	(pc) =	sbr.rel $0x88, $3  }
0x1: {  	(tag) =	ssettag $0x0;
	lr =	simm.s32 $0x1  }
0x2: {  	[smem:$0x3F9B] =	sst lr;
	_ =	strace $0xD0000000  }
0x3: {  	_ = 	snop  }
0x4: {  	_ = 	snop  }
0x5: {  	_ = 	snop  }
0x6: {  	_ = 	snop  }
0x7: {  	_ = 	snop  }
__scs_overlays_trampoline_lowered:
0x8: {  	[smem:$0x3FAA] =	sst s0  }
0x9: {  	[smem:$0x3FAB] =	sst s1  }
0xa: {  	[smem:$0x3FAC] =	sst s2  }
0xb: {  	[smem:$0x3FAD] =	sst s3  }
0xc: {  	[smem:$0x3FAE] =	sst s4  }
0xd: {  	[smem:$0x3FAF] =	sst s5  }
0xe: {  	[smem:$0x3FB0] =	sst s6  }
0xf: {  	[smem:$0x3FB1] =	sst s7  }
0x10: {  	[smem:$0x3FB2] =	sst s8  }
0x11: {  	[smem:$0x3FB3] =	sst s9;
	s0 =	simm.s32 @!p0 $0x0  }
0x12: {  	s1 =	sld [smem:$0x3F99];
	s0 =	simm.s32 @p0 $0x1  }
0x13: {  	[smem:$0x3FB4] =	sst s0;
	s0 =	simm.s32 @!p1 $0x0  }
0x14: {  	s2 =	sld [smem:$0x3F98];
	s0 =	simm.s32 @p1 $0x1  }
0x15: {  	[smem:$0x3FB5] =	sst s0;
	s0 =	simm.s32 @!p2 $0x0  }
0x16: {  	s3 =	sld [smem:$0x3FDB];
	s0 =	simm.s32 @p2 $0x1  }
0x17: {  	s4 =	simm.s32 $0x1BF5;
	[smem:$0x3FB7] =	sst s0  }
0x18: {  	s0 =	sld [smem:$0x3F9A];
	_ =	swait.ge [sflag:s4], $0x0  }
0x19: {  	s7 =	sld [smem:$0x3F9B]  }
0x1a: {  	s8 =	sadd.s32 $0xFFFFE003, lr  }
0x1b: {  	s9 =	sadd.s32 $0xFFFFFEF7, lr;
	s5 =	simm.s32 $0xFFFFFFFF;
	p2 =	slt.u32 s8, $0xFFFFF086  }
0x1c: {  	p1 =	slt.u32 s9, $0xF7A;
	s5 =	simm.s32 @!p2 $0x0  }
0x1d: {  	s5 =	simm.s32 @p1 $0x1;
	p0 =	seq.s32 s7, s2  }
0x1e: {  	s7 =	smul.u32 @!p0 $0xF7A, s2;
	p2 =	seq.s32 @!p0 s5, $0x0  }
0x1f: {  	s9 =	smul.u32 $0xF7A, s1;
	s8 =	simm.s32 @!p0 $0x1BF5;
	p2 =	por !p2, p0  }
0x20: {  	[sflag:s8] =	ssyncset.s32 @!p0 $0xFFFFF086;
	s6 =	sadd.s32 @!p0 s3, s7;
	s7 =	simm.s32 @!p0 $0x108  }
0x21: {  	s3 =	sadd.s32 s3, s9;
	s6 =	sadd.s32 @!p0 $0x88, s6;
	s7 =	simm.s32 @p2 $0x1082  }
0x22: {  	[simem:s7], [sflag:s8] =	dma.local @!p0 [hbm:s6], $0xF7A  }
0x23: {  	s9 =	sor.u32 $0xD0000000, s2;
	s6 =	simm.s32 $0x108;
	_ =	swait.ge @!p0 [sflag:s8], $0x0  }
0x24: {  	s3 =	sadd.s32 $0x88, s3;
	s6 =	simm.s32 @!p1 $0x1082;
	[sflag:s4] =	ssyncset.s32 $0xFFFFF086  }
0x25: {  	[simem:s6], [sflag:s4] =	dma.local [hbm:s3], $0xF7A  }
0x26: {  	[smem:$0x3F9B] =	sst s1;
	(tag) =	ssettag s2;
	_ =	strace s9  }
0x27: {  	s1 =	sld [smem:$0x3FAB]  }
0x28: {  	s2 =	sld [smem:$0x3FAC]  }
0x29: {  	s4 =	sld [smem:$0x3FAE]  }
0x2a: {  	p0 =	seq.s32 s5, $0x0;
	s5 =	sld [smem:$0x3FAF]  }
0x2b: {  	s6 =	sld [smem:$0x3FB0]  }
0x2c: {  	s7 =	sld [smem:$0x3FB1]  }
0x2d: {  	s3 =	simm.s32 $0x108;
	s8 =	sld [smem:$0x3FB2]  }
0x2e: {  	s3 =	simm.s32 @!p0 $0x1082;
	s9 =	sld [smem:$0x3FB3]  }
0x2f: {  	lr =	sadd.s32 s0, s3;
	s0 =	sld [smem:$0x3FAA]  }
0x30: {  	s3 =	sld [smem:$0x3FAD]  }
0x31: {  	[smem:$0x3FB6] =	sst s10  }
0x32: {  	s10 =	sld [smem:$0x3FB4];
	_ =	sdelay $0x3  }
0x33: {  	p0 =	seq.s32 s10, $0x1;
	s10 =	sld [smem:$0x3FB6];
	_ =	sdelay $0x3  }
0x34: {  	[smem:$0x3FB6] =	sst s10  }
0x35: {  	s10 =	sld [smem:$0x3FB5];
	_ =	sdelay $0x3  }
0x36: {  	p1 =	seq.s32 s10, $0x1;
	s10 =	sld [smem:$0x3FB6];
	_ =	sdelay $0x3  }
0x37: {  	[smem:$0x3FB6] =	sst s10  }
0x38: {  	s10 =	sld [smem:$0x3FB7]  }
0x39: {  	_ = 	snop;
	(pc) =	sbr.ind lr, $3  }
0x3a: {  	_ = 	snop  }
0x3b: {  	_ = 	snop  }
0x3c: {  	p2 =	seq.s32 s10, $0x1;
	s10 =	sld [smem:$0x3FB6]  }
0x3d: {  	_ =	shalt  }
0x3e: {  	_ =	shalt  }
0x3f: {  	_ =	shalt  }
0x40: {  	_ =	shalt  }
0x41: {  	_ =	shalt  }
0x42: {  	_ =	shalt  }
0x43: {  	_ =	shalt  }
0x44: {  	_ =	shalt  }
0x45: {  	_ =	shalt  }
0x46: {  	_ =	shalt  }
0x47: {  	_ =	shalt  }
0x48: {  	_ =	shalt  }
0x49: {  	_ =	shalt  }
0x4a: {  	_ =	shalt  }
0x4b: {  	_ =	shalt  }
0x4c: {  	_ =	shalt  }
0x4d: {  	_ =	shalt  }
0x4e: {  	_ =	shalt  }
0x4f: {  	_ =	shalt  }
0x50: {  	_ =	shalt  }
0x51: {  	_ =	shalt  }
0x52: {  	_ =	shalt  }
0x53: {  	_ =	shalt  }
0x54: {  	_ =	shalt  }
0x55: {  	_ =	shalt  }
0x56: {  	_ =	shalt  }
0x57: {  	_ =	shalt  }
0x58: {  	_ =	shalt  }
0x59: {  	_ =	shalt  }
0x5a: {  	_ =	shalt  }
0x5b: {  	_ =	shalt  }
0x5c: {  	_ =	shalt  }
0x5d: {  	_ =	shalt  }
0x5e: {  	_ =	shalt  }
0x5f: {  	_ =	shalt  }
0x60: {  	_ =	shalt  }
0x61: {  	_ =	shalt  }
0x62: {  	_ =	shalt  }
0x63: {  	_ =	shalt  }
0x64: {  	_ =	shalt  }
0x65: {  	_ =	shalt  }
0x66: {  	_ =	shalt  }
0x67: {  	_ =	shalt  }
0x68: {  	_ =	shalt  }
0x69: {  	_ =	shalt  }
0x6a: {  	_ =	shalt  }
0x6b: {  	_ =	shalt  }
0x6c: {  	_ =	shalt  }
0x6d: {  	_ =	shalt  }
0x6e: {  	_ =	shalt  }
0x6f: {  	_ =	shalt  }
0x70: {  	_ =	shalt  }
0x71: {  	_ =	shalt  }
0x72: {  	_ =	shalt  }
0x73: {  	_ =	shalt  }
0x74: {  	_ =	shalt  }
0x75: {  	_ =	shalt  }
0x76: {  	_ =	shalt  }
0x77: {  	_ =	shalt  }
0x78: {  	_ =	shalt  }
0x79: {  	_ =	shalt  }
0x7a: {  	_ =	shalt  }
0x7b: {  	_ =	shalt  }
0x7c: {  	_ =	shalt  }
0x7d: {  	_ =	shalt  }
0x7e: {  	_ =	shalt  }
0x7f: {  	_ =	shalt  }
0x80: {  	_ =	shalt  }
0x81: {  	_ =	shalt  }
0x82: {  	_ =	shalt  }
0x83: {  	_ =	shalt  }
0x84: {  	_ =	shalt  }
0x85: {  	_ =	shalt  }
0x86: {  	_ =	shalt  }
0x87: {  	_ =	shalt  }
.Lfunc_end0:
.L_simem_size_0:
called_computation_lowered:
.L_overlay_start_0:
0x88: {  	s2 =	sld [smem:$0x3FD9]  }
0x89: {  	s3 =	sld [smem:$0x3FFE];
	_ =	sdelay $0x1  }
0x8a: {  	s1 =	srdreg.scid  }
0x8b: {  	s0 =	sand.u32 $0x1, s1  }
0x8c: {  	s16 =	sshll.u32 s0, $0xA;
	s2 =	sadd.s32 s3, s2  }
0x8d: {  	s2 =	sadd.s32 s2, s16  }
0x8e: {  	[smem:$0x3FC2] =	sst s2  }
0x8f: {  	_ = 	snop  }
0x90: {  	(tm) =	ssettm $0x1  }
0x91: {  	s17 =	sld [smem:$0x3FFB];
	_ =	sdelay $0x3  }
0x92: {  	_ =	strace s17  }
0x93: {  	s2 =	sld [smem:$0x3FFC];
	_ =	sdelay $0x3  }
0x94: {  	_ =	strace s2  }
0x95: {  	s2 =	sld [smem:$0x3FFD];
	_ =	sdelay $0x3  }
0x96: {  	_ =	strace s2  }
0x97: {  	_ =	strace $0x8FFFFFFF  }
0x98: {  	s18 =	sld [smem:$0x3FDB];
	_ =	sdelay $0x1  }
0x99: {  	s19 =	simm.s32 $_scs_section_size  }
0x9a: {  	s4 =	simm.s32 $_size__tile_overlayer_lowered;
	s5 =	simm.s32 $_tile_overlayer_lowered  }
0x9b: {  	s22 =	simm.s32 $0x1BFF;
	s21 =	sshll.u32 s5, $0x1;
	s2 =	sadd.s32 s19, s18  }
0x9c: {  	s6 =	simm.s32 $0x0;
	s20 =	sshll.u32 s4, $0x1;
	s4 =	sadd.s32 s21, s2  }
0x9d: {  	[timem:s6], [sflag:s22] =	dma.local [hbm:s4], s20  }
0x9e: {  	_ =	swait.ge [sflag:s22], s20  }
0x9f: {  	s3 =	ssub.s32 $0x0, s20;
	[sflag:s22] =	ssyncset.done $0x0  }
0xa0: {  	[sflag:s22] =	ssyncadd.s32 s3;
	_ =	sdelay $0x1  }
0xa1: {  	s23 =	simm.s32 $0x1B8B  }
0xa2: {  	_ =	swait.ge [sflag:s23], $0x1  }
0xa3: {  	[sflag:s23] =	ssyncset.done $0x0  }
0xa4: {  	s25 =	simm.s32 $0x1B8E;
	s24 =	sld [smem:$0x3FFE];
	[sflag:s23] =	ssyncadd.s32 $0xFFFFFFFF  }
0xa5: {  	s26 =	simm.s32 $execute0_lowered;
	[smem:$0x3FD2] =	sst s25  }
0xa6: {  	s4 =	sshll.u32 s26, $0x1;
	_ =	strace $0x80000046;
	[dreg:$0x1] =	wrdreg $0xFFFFFFFF  }
0xa7: {  	s28 =	simm.s32 $_size_execute0_lowered;
	s2 =	sadd.s32 s2, s4;
	[dreg:$0x0] =	wrdreg $0x0  }
0xa8: {  	s4 =	sshll.u32 s28, $0x1;
	[dreg:$0x2] =	wrdreg s2  }
0xa9: {  	[dreg:$0x3] =	wrdreg s4  }
0xaa: {  	[dreg:$0x4] =	wrdreg $0xC0  }
0xab: {  	_ =	task [dreg:s6], $0x5FFFF  }
0xac: {  	[dreg:$0x1] =	wrdreg $0xFFFFFFFF  }
0xad: {  	[dreg:$0x0] =	wrdreg $0x60  }
0xae: {  	[dreg:$0x2] =	wrdreg s24  }
0xaf: {  	[dreg:$0x3] =	wrdreg $0x9  }
0xb0: {  	_ =	task.clear_ibuf [dreg:s6], $0x4FFFF;
	_ =	strace $0x90000046  }
0xb1: {  	s29 =	simm.s32 $0x9;
	_ =	strace $0x80000048  }
0xb2: {  	_ =	swait.ge [sflag:s29], $0x1  }
0xb3: {  	[sflag:s29] =	ssyncadd.s32 $0xFFFFFFFF  }
0xb4: {  	_ =	strace $0x90000048  }
0xb5: {  	_ =	sfence  }
0xb6: {  	s30 =	sld [smem:$0x0];
	_ =	sdelay $0x2  }
0xb7: {  	s31 =	sshll.u32 s1, $0xD;
	s1 =	sshrl.u32 s1, $0x2  }
0xb8: {  	s3 =	sand.u32 $0x4000, s31;
	s1 =	sadd.s32 s1, s30  }
0xb9: {  	s0 =	sor.u32 s3, s0;
	s1 =	sshll.u32 s1, $0x11  }
0xba: {  	s0 =	sor.u32 s1, s0  }
0xbb: {  	s0 =	sadd.s32 $0x8F2B, s0  }
0xbc: {  	[sflag:s0] =	ssyncadd.remote.s32 $0x1  }
0xbd: {  	_ =	sfence.sel $0xFFFF  }
0xbe: {  	[dreg:$0x0] =	wrdreg $0xFFFFFFFF;
	(pc) =	sbr.abs _section_cstart, $3  }
0xbf: {  	[dreg:$0x1] =	wrdreg $0xFFFFFFFF  }
0xc0: {  	_ =	task.clear_ibuf [dreg:s6], $0x2FFFF;
	_ =	strace $0x9FFFFFFF  }
0xc1: {  	(tm) =	ssettm $0x7FFFFFFF  }
tec
execute0_lowered:
.L_overlay_start_1:
0x0: {  	(tag) =	ssettag $0x1  }
0x1: {  	s0 =	srdreg.scid  }
0x2: {  	s3 =	sand.u32 $0x1, s0  }
0x3: {  	s4 =	rddreg [dreg:$0x0];
	s0 =	stileid.u32;
	s1 =	sshll.u32 s3, $0x4  }
0x4: {  	s2 =	simm.s32 $0x0;
	s8 =	simm.s32 $0x0;
	s5 =	sor.u32 s0, s1  }
0x5: {  	[smem:$0x7FF] =	sst s2;
	s3 =	ssub.s32 $0x2, s3;
	s6 =	smul.u32 $0x4E2, s5  }
0x6: {  	s1 =	rddreg [dreg:$0x1];
	s7 =	sshrl.u32 s3, $0x1;
	s5 =	smul.u32 $0x500, s5  }
0x7: {  	_ =	strace $0x80000047;
	s31 =	ssub.s32 s3, s7;
	s7 =	simm.s32 $0x2780  }
0x8: {  	s6 =	sadd.s32 s6, s4;
	s4 =	sadd.s32 s5, s4;
	s5 =	smax.u32 s31, $0x1  }
0x9: {  	v0 =	vimm.f32 $0.0e+00;
	v1 =	vimm.f32 $1.000000000e+00;
	s3 =	sadd.s32 $0x2A00, s6;
	s4 =	sadd.s32 $0xC800, s4;
	s6 =	simm.s32 $0x1  }
.LBB2_1:
0xa: {  	s10 =	simm.s32 $0x100;
	s9 =	simm.s32 $0x0  }
.LBB2_2:
0xb: {  	p0 =	sne.s32 s10, $0x9F00;
	[tilespmem:s9+$0x27B0] =	vst v0;
	s11 =	smov.u32 s10;
	s10 =	sadd.s32 $0x100, s10  }
.Ltmp0:
0xc: {  	[tilespmem:s9+$0x27A0] =	vst v0;
	(pc) =	sbr.rel @p0 .LBB2_2-.Ltmp0, $3  }
0xd: {  	[tilespmem:s9+$0x2780] =	vst v0  }
0xe: {  	[tilespmem:s9+$0x2790] =	vst v0;
	_ =	sdelay $0x1  }
0xf: {  	s9 =	sshra.s32 s11, $0x2  }
0x10: {  	[tilespmem:s9+$0x27B0] =	vst v0  }
0x11: {  	[tilespmem:s9+$0x27A0] =	vst v0  }
0x12: {  	[tilespmem:s9+$0x2780] =	vst v0  }
0x13: {  	[tilespmem:s9+$0x2790] =	vst v0;
	s9 =	simm.s32 $0x0  }
0x14: {  	[tilespmem:s9], [sflag:$0x1] =	stream.linear.gather [hbm4b:s3+s9], $0x2710, $0x38;
	[tilespmem:$0x4F80] =	vst v63  }
0x15: {  	_ =	swait.ge [sflag:s6], $0x2710  }
0x16: {  	[sflag:s6] =	ssyncset.done $0x0  }
0x17: {  	[sflag:s6] =	ssyncadd.s32 $0xFFFFD8F0  }
.LBB2_4:
0x18: {  	s10 =	sshra.s32 s9, $0x2  }
0x19: {  	v2 =	vld [tilespmem:s10+$0x0];
	_ =	sdelay $0x7  }
0x1a: {  	[tilespmem:v2+s7+$0x0] =	vst.idx.add.f32.msk $0xffff, v1  }
0x1b: {  	v2 =	vld [tilespmem:s10+$0x10];
	_ =	sdelay $0x7  }
0x1c: {  	[tilespmem:v2+s7+$0x0] =	vst.idx.add.f32.msk $0xffff, v1  }
0x1d: {  	v2 =	vld [tilespmem:s10+$0x20];
	_ =	sdelay $0x7  }
0x1e: {  	[tilespmem:v2+s7+$0x0] =	vst.idx.add.f32.msk $0xffff, v1  }
0x1f: {  	v2 =	vld [tilespmem:s10+$0x30];
	_ =	sdelay $0x7  }
0x20: {  	[tilespmem:v2+s7+$0x0] =	vst.idx.add.f32.msk $0xffff, v1  }
0x21: {  	v2 =	vld [tilespmem:s10+$0x40];
	_ =	sdelay $0x2  }
0x22: {  	p0 =	sne.s32 s9, $0x9B00  }
.Ltmp1:
0x23: {  	_ = 	snop;
	(pc) =	sbr.rel @p0 .LBB2_4-.Ltmp1, $2  }
0x24: {  	_ =	sdelay $0x2  }
0x25: {  	s9 =	sadd.s32 $0x140, s9;
	[tilespmem:v2+s7+$0x0] =	vst.idx.add.f32.msk $0xffff, v1  }
0x26: {  	s8 =	sadd.s32 $0x1, s8  }
0x27: {  	p0 =	sne.s32 s8, s5  }
.Ltmp2:
0x28: {  	_ = 	snop;
	(pc) =	sbr.rel @p0 .LBB2_1-.Ltmp2, $4  }
0x29: {  	[hbm4b:s4+s2] =	stream.linear.scatter [tilespmem:s7], [sflag:$0x1], $0x2800, $0x38;
	[tilespmem:$0x4F80] =	vst v63  }
0x2a: {  	_ =	swait.ge [sflag:s6], $0x2800  }
0x2b: {  	[sflag:s6] =	ssyncset.done $0x0  }
0x2c: {  	[sflag:s6] =	ssyncadd.s32 $0xFFFFD800  }
0x2d: {  	_ =	sfence.sel $0x180000  }
0x2e: {  	[bflag:$0x0] =	sbarrier.arrive $0xFFFF  }
0x2f: {  	p0 =	sne.s32 s0, $0x0;
	_ =	strace $0x90000047  }
0x30: {  	s0 =	sadd.s32 @!p0 $0x100000, s1;
	[bflag:$0x2] =	sbarrier.arrive $0xFFFF  }
0x31: {  	[sflag:s0] =	ssyncadd.tile.s32 @!p0 $0x1;
	_ =	shalt  }
.Lfunc_end2:
_tile_overlayer_lowered:
.L_overlay_start_2:
0x32: {  	(tag) =	ssettag $0x2  }
0x33: {  	s0 =	rddreg [dreg:$0x0];
	s2 =	stileid.u32  }
0x34: {  	s1 =	rddreg [dreg:$0x1];
	p0 =	sne.s32 s2, $0x0  }
0x35: {  	s3 =	rddreg [dreg:$0x2];
	[bflag:$0x3] =	sbarrier.arrive $0xFFFF;
	s2 =	simm.s32 @!p0 $0x1C01  }
0x36: {  	[timem:s3], [sflag:s2] =	dma.local @!p0 [hbm:s0], s1  }
0x37: {  	s0 =	simm.s32 @!p0 $0x1  }
0x38: {  	_ =	swait.ge @!p0 [sflag:s0], s1  }
0x39: {  	s1 =	ssub.s32 @!p0 $0x0, s1;
	[sflag:s0] =	ssyncset.done @!p0 $0x0  }
0x3a: {  	[sflag:s0] =	ssyncadd.s32 @!p0 s1  }
0x3b: {  	[bflag:$0x3] =	sbarrier.arrive $0xFFFF  }
0x3c: {  	_ =	shalt  }

</sc_bundles>
